<compile_context>
chip_gen: v7x
topology: tpu7x:2x2x1
jax: 0.10.2.dev20260603
libtpu: 0.0.44.dev20260713+nightly
codegen_flags: <defaults>
</compile_context>

<pallas_src>
import functools

import jax
import jax.numpy as jnp
from jax import lax
from jax.experimental import pallas as pl
from jax.experimental.pallas import tpu as pltpu
from jax.experimental.pallas import tpu_sc as plsc

D = 128
NG = 50000
NM = 10000
E = 320000

_NC = 2
_NS = 16
_NW = _NC * _NS
_EP = E // _NW
_C = 80
_NCH = _EP // _C
_ZR = 624
_ZT = NM - _ZR * (_NS - 1) - _ZR


def _ln(y, g, b):
    mu = jnp.mean(y, axis=-1, keepdims=True)
    var = jnp.mean((y - mu) ** 2, axis=-1, keepdims=True)
    return (y - mu) * lax.rsqrt(var + 1e-5) * g + b


def _full(shape):
    return pl.BlockSpec(shape, lambda i: (0,) * len(shape))


def _rows(bm, n):
    return pl.BlockSpec((bm, n), lambda i: (i, 0))


def _grid_kernel_body(gf, geo, w1a, w1b, b1, w2, b2, g, bb,
                      w1s, nw1, nb1, nw2, nb2, ng_, nbb,
                      lat_ref, g1_ref, go_ref):
    h = jax.nn.silu(
        jnp.dot(gf[...], w1a[...], preferred_element_type=jnp.float32)
        + jnp.dot(geo[...], w1b[...], preferred_element_type=jnp.float32)
        + b1[...])
    lat = _ln(jnp.dot(h, w2[...], preferred_element_type=jnp.float32) + b2[...],
              g[...], bb[...])
    lat_ref[...] = lat
    g1_ref[...] = jnp.dot(lat, w1s[...], preferred_element_type=jnp.float32)
    gh = jax.nn.silu(jnp.dot(lat, nw1[...], preferred_element_type=jnp.float32)
                     + nb1[...])
    go = _ln(jnp.dot(gh, nw2[...], preferred_element_type=jnp.float32) + nb2[...],
             ng_[...], nbb[...])
    go_ref[...] = go + lat


def _grid_stage(gfeat, geo, ge, w1s, gn):
    bm = 2000
    grid = (NG // bm,)
    r = lambda a: a.reshape(1, -1)
    out = pl.pallas_call(
        _grid_kernel_body,
        grid=grid,
        in_specs=[
            _rows(bm, 96), _rows(bm, 32),
            _full((96, D)), _full((32, D)), _full((1, D)),
            _full((D, D)), _full((1, D)), _full((1, D)), _full((1, D)),
            _full((D, D)),
            _full((D, D)), _full((1, D)), _full((D, D)), _full((1, D)),
            _full((1, D)), _full((1, D)),
        ],
        out_specs=[_rows(bm, D), _rows(bm, D), _rows(bm, D)],
        out_shape=[jax.ShapeDtypeStruct((NG, D), jnp.float32)] * 3,
    )(gfeat, geo,
      ge["W1"][:96], ge["W1"][96:], r(ge["b1"]), ge["W2"], r(ge["b2"]),
      r(ge["ln_g"]), r(ge["ln_b"]),
      w1s,
      gn["W1"], r(gn["b1"]), gn["W2"], r(gn["b2"]), r(gn["ln_g"]), r(gn["ln_b"]))
    return out


def _embed_body(x, w1, b1, w2, b2, g, bb, out_ref):
    h = jax.nn.silu(jnp.dot(x[...], w1[...], preferred_element_type=jnp.float32)
                    + b1[...])
    out_ref[...] = _ln(
        jnp.dot(h, w2[...], preferred_element_type=jnp.float32) + b2[...],
        g[...], bb[...])


def _embed_stage(x, p, bm):
    n, k = x.shape
    r = lambda a: a.reshape(1, -1)
    return pl.pallas_call(
        _embed_body,
        grid=(n // bm,),
        in_specs=[_rows(bm, k), _full((k, D)), _full((1, D)), _full((D, D)),
                  _full((1, D)), _full((1, D)), _full((1, D))],
        out_specs=_rows(bm, D),
        out_shape=jax.ShapeDtypeStruct((n, D), jnp.float32),
    )(x, p["W1"], r(p["b1"]), p["W2"], r(p["b2"]), r(p["ln_g"]), r(p["ln_b"]))


def _proj_body(x, w, b, out_ref):
    out_ref[...] = (jnp.dot(x[...], w[...], preferred_element_type=jnp.float32)
                    + b[...])


def _proj_stage(x, w, b, bm):
    n = x.shape[0]
    return pl.pallas_call(
        _proj_body,
        grid=(n // bm,),
        in_specs=[_rows(bm, D), _full((D, D)), _full((1, D))],
        out_specs=_rows(bm, D),
        out_shape=jax.ShapeDtypeStruct((n, D), jnp.float32),
    )(x, w, b.reshape(1, -1))


def _edge_mlp_body(el, sf, df, w1, w2, b2, g, bb, out_ref):
    h = jax.nn.silu(jnp.dot(el[...], w1[...], preferred_element_type=jnp.float32)
                    + sf[...] + df[...])
    y = _ln(jnp.dot(h, w2[...], preferred_element_type=jnp.float32) + b2[...],
            g[...], bb[...])
    out_ref[...] = el[...] + y


def _edge_mlp_stage(el, sf, df, w1e, p):
    bm = 2000
    r = lambda a: a.reshape(1, -1)
    return pl.pallas_call(
        _edge_mlp_body,
        grid=(E // bm,),
        in_specs=[_rows(bm, D), _rows(bm, D), _rows(bm, D),
                  _full((D, D)), _full((D, D)), _full((1, D)), _full((1, D)),
                  _full((1, D))],
        out_specs=_rows(bm, D),
        out_shape=jax.ShapeDtypeStruct((E, D), jnp.float32),
    )(el, sf, df, w1e, p["W2"], r(p["b2"]), r(p["ln_g"]), r(p["ln_b"]))


def _node_mlp_body(ml, a0, a1, w1m, w1a, b1, w2, b2, g, bb, out_ref):
    agg = a0[...] + a1[...]
    h = jax.nn.silu(jnp.dot(ml[...], w1m[...], preferred_element_type=jnp.float32)
                    + jnp.dot(agg, w1a[...], preferred_element_type=jnp.float32)
                    + b1[...])
    y = _ln(jnp.dot(h, w2[...], preferred_element_type=jnp.float32) + b2[...],
            g[...], bb[...])
    out_ref[...] = ml[...] + y


def _node_mlp_stage(ml, agg2, p):
    bm = 2000
    r = lambda a: a.reshape(1, -1)
    return pl.pallas_call(
        _node_mlp_body,
        grid=(NM // bm,),
        in_specs=[_rows(bm, D), _rows(bm, D), _rows(bm, D),
                  _full((D, D)), _full((D, D)), _full((1, D)),
                  _full((D, D)), _full((1, D)), _full((1, D)), _full((1, D))],
        out_specs=_rows(bm, D),
        out_shape=jax.ShapeDtypeStruct((NM, D), jnp.float32),
    )(ml, agg2[0], agg2[1],
      p["W1"][:D], p["W1"][D:], r(p["b1"]), p["W2"], r(p["b2"]),
      r(p["ln_g"]), r(p["ln_b"]))


def _sc_mesh():
    return plsc.VectorSubcoreMesh(core_axis_name="c", subcore_axis_name="s",
                                  num_cores=_NC, num_subcores=_NS)


def _sc_gather(g1, m1, src, dst):
    @functools.partial(
        pl.kernel,
        out_type=(jax.ShapeDtypeStruct((E, D), jnp.float32),
                  jax.ShapeDtypeStruct((E, D), jnp.float32)),
        mesh=_sc_mesh(),
        scratch_types=[
            pltpu.VMEM((_C,), jnp.int32),
            pltpu.VMEM((_C,), jnp.int32),
            pltpu.VMEM((_C, D), jnp.float32),
            pltpu.VMEM((_C, D), jnp.float32),
            pltpu.SemaphoreType.DMA,
            pltpu.SemaphoreType.DMA,
        ],
    )
    def k(g1_hbm, m1_hbm, src_hbm, dst_hbm, sf_hbm, df_hbm,
          sidx, didx, srows, drows, sem1, sem2):
        wid = lax.axis_index("s") * _NC + lax.axis_index("c")
        base = wid * _EP

        def body(i, carry):
            off = base + i * _C
            pltpu.sync_copy(src_hbm.at[pl.ds(off, _C)], sidx)
            pltpu.sync_copy(dst_hbm.at[pl.ds(off, _C)], didx)
            cp1 = pltpu.async_copy(g1_hbm.at[sidx], srows, sem1)
            cp2 = pltpu.async_copy(m1_hbm.at[didx], drows, sem2)
            cp1.wait()
            cp2.wait()
            pltpu.sync_copy(srows, sf_hbm.at[pl.ds(off, _C)])
            pltpu.sync_copy(drows, df_hbm.at[pl.ds(off, _C)])
            return carry

        lax.fori_loop(0, _NCH, body, 0)

    return k(g1, m1, src, dst)


def _sc_scatter(edge2, dst, zeros_nm):
    @functools.partial(
        pl.kernel,
        out_type=jax.ShapeDtypeStruct((_NC, NM, D), jnp.float32),
        mesh=_sc_mesh(),
        scratch_types=[
            pltpu.VMEM((_C,), jnp.int32),
            pltpu.VMEM((_C, D), jnp.float32),
            pltpu.VMEM_SHARED((NM, D), jnp.float32),
        ],
    )
    def k(e_hbm, dst_hbm, z_hbm, out_hbm, idx, rows, acc):
        c = lax.axis_index("c")
        s = lax.axis_index("s")
        wid = s * _NC + c
        pltpu.sync_copy(z_hbm.at[pl.ds(s * _ZR, _ZR)],
                        acc.at[pl.ds(s * _ZR, _ZR)])
        @pl.when(s == _NS - 1)
        def _():
            pltpu.sync_copy(z_hbm.at[pl.ds(_NS * _ZR, _ZT)],
                            acc.at[pl.ds(_NS * _ZR, _ZT)])
        plsc.subcore_barrier()
        base = wid * _EP

        def body(i, carry):
            off = base + i * _C
            pltpu.sync_copy(dst_hbm.at[pl.ds(off, _C)], idx)
            pltpu.sync_copy(e_hbm.at[pl.ds(off, _C)], rows)
            pltpu.sync_copy(rows, acc.at[idx], add=True)
            return carry

        lax.fori_loop(0, _NCH, body, 0)
        plsc.subcore_barrier()
        pltpu.sync_copy(acc.at[pl.ds(s * _ZR, _ZR)],
                        out_hbm.at[c, pl.ds(s * _ZR, _ZR)])
        @pl.when(s == _NS - 1)
        def _():
            pltpu.sync_copy(acc.at[pl.ds(_NS * _ZR, _ZT)],
                            out_hbm.at[c, pl.ds(_NS * _ZR, _ZT)])

    return k(edge2, dst, zeros_nm)


def kernel(grid_nodes_features, params, edge_index):
    p = params
    gfeat = grid_nodes_features[0]
    src = edge_index[0]
    dst = edge_index[1]
    w1 = p["edge_mlp"]["W1"]
    w1e, w1s, w1d = w1[:D], w1[D:2 * D], w1[2 * D:]

    grid_lat, g1, grid_out = _grid_stage(gfeat, p["grid_geo"], p["grid_embed"],
                                         w1s, p["grid_node_mlp"])
    mesh_lat = _embed_stage(p["mesh_geo"], p["mesh_embed"], 2000)
    m1 = _proj_stage(mesh_lat, w1d, p["edge_mlp"]["b1"], 2000)
    edge_lat = _embed_stage(p["edge_feats"], p["edge_embed"], 2000)

    sf, df = _sc_gather(g1, m1, src, dst)
    edge2 = _edge_mlp_stage(edge_lat, sf, df, w1e, p["edge_mlp"])
    agg2 = _sc_scatter(edge2, dst, jnp.zeros((NM, D), jnp.float32))
    mesh_out = _node_mlp_stage(mesh_lat, agg2, p["node_mlp"])

    return (grid_out[None], mesh_out[None])

# --- scband reference (transcript-rebuilt; emitter-appended) ---
"""Pipeline reference for scband-grid2-mesh-encoder-11991548690710 (READ-ONLY COPY).

The authoritative reference and input builder live on the scoring server;
editing this copy changes nothing except your own understanding.
"""

import jax, jax.numpy as jnp
import numpy as np

D = 128
NG = 50000
NM = 10000
E = 320000
B = 1
IN_GRID_RAW = 96
GEO_GRID = 32
IN_MESH = 3
IN_EDGE = 4
N_STEPS = 1


def _mlp_init(key, in_dim, hidden_dim, out_dim):
    k1, k2 = jax.random.split(key)
    return {
        "W1": jax.random.normal(k1, (in_dim, hidden_dim), jnp.float32) / np.sqrt(in_dim),
        "b1": jnp.zeros((hidden_dim,), jnp.float32),
        "W2": jax.random.normal(k2, (hidden_dim, out_dim), jnp.float32) / np.sqrt(hidden_dim),
        "b2": jnp.zeros((out_dim,), jnp.float32),
        "ln_g": jnp.ones((out_dim,), jnp.float32),
        "ln_b": jnp.zeros((out_dim,), jnp.float32),
    }


def _mlp_apply(p, x):
    h = jax.nn.silu(x @ p["W1"] + p["b1"])
    y = h @ p["W2"] + p["b2"]
    mu = jnp.mean(y, axis=-1, keepdims=True)
    var = jnp.var(y, axis=-1, keepdims=True)
    return (y - mu) / jnp.sqrt(var + 1e-5) * p["ln_g"] + p["ln_b"]


def setup_inputs(seed: int = 0):
    key = jax.random.key(seed)
    ks = jax.random.split(key, 12)
    grid_nodes_features = jax.random.normal(ks[0], (B, NG, IN_GRID_RAW), jnp.float32)
    params = {
        "grid_geo": jax.random.normal(ks[1], (NG, GEO_GRID), jnp.float32),
        "mesh_geo": jax.random.normal(ks[2], (NM, IN_MESH), jnp.float32),
        "edge_feats": jax.random.normal(ks[3], (E, IN_EDGE), jnp.float32),
        "grid_embed": _mlp_init(ks[4], IN_GRID_RAW + GEO_GRID, D, D),
        "mesh_embed": _mlp_init(ks[5], IN_MESH, D, D),
        "edge_embed": _mlp_init(ks[6], IN_EDGE, D, D),
        "edge_mlp": _mlp_init(ks[7], 3 * D, D, D),
        "node_mlp": _mlp_init(ks[8], 2 * D, D, D),
        "grid_node_mlp": _mlp_init(ks[9], D, D, D),
    }
    src = jax.random.randint(ks[10], (E,), 0, NG, dtype=jnp.int32)
    dst = jax.random.randint(ks[11], (E,), 0, NM, dtype=jnp.int32)
    edge_index = jnp.stack([src, dst], axis=0)
    return {"grid_nodes_features": grid_nodes_features, "params": params, "edge_index": edge_index}


def reference(grid_nodes_features, params, edge_index):
    b = grid_nodes_features.shape[0]
    # embed grid nodes (raw features ++ static geo features)
    geo = jnp.broadcast_to(params["grid_geo"][None], (b, NG, GEO_GRID))
    gx = jnp.concatenate([grid_nodes_features, geo], axis=-1)
    grid_lat = _mlp_apply(params["grid_embed"], gx)
    # embed mesh nodes from static geo features, broadcast over batch
    mesh_lat = _mlp_apply(params["mesh_embed"], params["mesh_geo"])
    mesh_lat = jnp.broadcast_to(mesh_lat[None], (b, NM, D))
    # embed grid->mesh edges, broadcast over batch
    edge_lat = _mlp_apply(params["edge_embed"], params["edge_feats"])
    edge_lat = jnp.broadcast_to(edge_lat[None], (b, E, D))
    src_idx = edge_index[0]
    dst_idx = edge_index[1]
    # interaction-network message passing (grid -> mesh)
    for _ in range(N_STEPS):
        src_f = jnp.take(grid_lat, src_idx, axis=1)
        dst_f = jnp.take(mesh_lat, dst_idx, axis=1)
        e_in = jnp.concatenate([edge_lat, src_f, dst_f], axis=-1)
        edge_lat = edge_lat + _mlp_apply(params["edge_mlp"], e_in)
        agg = jax.vmap(lambda e: jax.ops.segment_sum(e, dst_idx, num_segments=NM))(edge_lat)
        n_in = jnp.concatenate([mesh_lat, agg], axis=-1)
        mesh_lat = mesh_lat + _mlp_apply(params["node_mlp"], n_in)
    # residual grid-node MLP
    grid_out = _mlp_apply(params["grid_node_mlp"], grid_lat) + grid_lat
    return (grid_out.astype(jnp.float32), mesh_lat.astype(jnp.float32))

if __name__ == "__main__":
    import jax
    _d = setup_inputs()
    print(jax.jit(kernel)(*tuple(_d.values())))

</pallas_src>

<mosaic_0001>
#map = affine_map<(d0, d1) -> (0, 0)>
#map1 = affine_map<(d0, d1) -> (0)>
module attributes {stable_mosaic.version = 14 : i64} {
  func.func @k(%arg0: i32, %arg1: i32, %arg2: memref<50000x128xf32, #tpu.memory_space<hbm>>, %arg3: memref<10000x128xf32, #tpu.memory_space<hbm>>, %arg4: memref<320000xi32, #tpu.memory_space<hbm>>, %arg5: memref<320000xi32, #tpu.memory_space<hbm>>, %arg6: memref<320000x128xf32, #tpu.memory_space<hbm>>, %arg7: memref<320000x128xf32, #tpu.memory_space<hbm>>, %arg8: memref<80xi32, #tpu.memory_space<vmem>>, %arg9: memref<80xi32, #tpu.memory_space<vmem>>, %arg10: memref<80x128xf32, #tpu.memory_space<vmem>>, %arg11: memref<80x128xf32, #tpu.memory_space<vmem>>, %arg12: memref<!tpu.dma_semaphore, #tpu.memory_space<semaphore_mem>>, %arg13: memref<!tpu.dma_semaphore, #tpu.memory_space<semaphore_mem>>) attributes {dimension_semantics = [#tpu.dimension_semantics<core_parallel>, #tpu.dimension_semantics<subcore_parallel>], iteration_bounds = array<i64: 2, 16>, scalar_prefetch = 0 : i64, scratch_operands = 6 : i64, tpu.core_type = #tpu.core_type<sc_vector_subcore>, window_params = [{transform_indices = #map}, {transform_indices = #map}, {transform_indices = #map1}, {transform_indices = #map1}, {transform_indices = #map}, {transform_indices = #map}]} {
    %mul3A = arith.constant 2 : i32
    %mul3A_0 = arith.muli %arg1, %mul3A : i32
    %add3A = arith.addi %mul3A_0, %arg0 : i32
    %mul3A_1 = arith.constant 10000 : i32
    %mul3A_2 = arith.muli %add3A, %mul3A_1 : i32
    %scan3A = arith.constant 0 : i32
    %scan3A_3 = arith.constant 0 : i32
    %scan3A_4 = arith.constant 125 : i32
    %scan3A_5 = arith.addi %scan3A_3, %scan3A_4 : i32
    %scan3A_6 = arith.constant 1 : i32
    scf.for %scan3A_8 = %scan3A_3 to %scan3A_5 step %scan3A_6  : i32 {
      %mul3A_9 = arith.constant 80 : i32
      %mul3A_10 = arith.muli %scan3A_8, %mul3A_9 : i32
      %add3A_11 = arith.addi %mul3A_2, %mul3A_10 : i32
      "tpu.region"() ({
        %run_scoped3A = tpu.sem_alloc : memref<!tpu.dma_semaphore, #tpu.memory_space<semaphore_mem>>
        %dma_start3A_22 = tpu.memref_slice %arg4[%add3A_11] : memref<320000xi32, #tpu.memory_space<hbm>> -> memref<80xi32, #tpu.memory_space<hbm>>
        %dma_start3A_23 = tpu.memref_slice %arg4[%add3A_11] : memref<320000xi32, #tpu.memory_space<hbm>> -> memref<80xi32, #tpu.memory_space<hbm>>
        tpu.enqueue_dma source(%dma_start3A_23 : memref<80xi32, #tpu.memory_space<hbm>>) target(%arg8 : memref<80xi32, #tpu.memory_space<vmem>>) target_semaphore(%run_scoped3A : memref<!tpu.dma_semaphore, #tpu.memory_space<semaphore_mem>>)
        %dma_wait3A_24 = tpu.memref_slice %arg4[%add3A_11] : memref<320000xi32, #tpu.memory_space<hbm>> -> memref<80xi32, #tpu.memory_space<hbm>>
        %dma_wait3A_25 = tpu.memref_slice %arg4[%add3A_11] : memref<320000xi32, #tpu.memory_space<hbm>> -> memref<80xi32, #tpu.memory_space<hbm>>
        tpu.wait_dma2 semaphore(%run_scoped3A : memref<!tpu.dma_semaphore, #tpu.memory_space<semaphore_mem>>) src(%dma_wait3A_25 : memref<80xi32, #tpu.memory_space<hbm>>) dst(%arg8 : memref<80xi32, #tpu.memory_space<vmem>>)
        tpu.yield
      }) : () -> ()
      "tpu.region"() ({
        %run_scoped3A = tpu.sem_alloc : memref<!tpu.dma_semaphore, #tpu.memory_space<semaphore_mem>>
        %dma_start3A_22 = tpu.memref_slice %arg5[%add3A_11] : memref<320000xi32, #tpu.memory_space<hbm>> -> memref<80xi32, #tpu.memory_space<hbm>>
        %dma_start3A_23 = tpu.memref_slice %arg5[%add3A_11] : memref<320000xi32, #tpu.memory_space<hbm>> -> memref<80xi32, #tpu.memory_space<hbm>>
        tpu.enqueue_dma source(%dma_start3A_23 : memref<80xi32, #tpu.memory_space<hbm>>) target(%arg9 : memref<80xi32, #tpu.memory_space<vmem>>) target_semaphore(%run_scoped3A : memref<!tpu.dma_semaphore, #tpu.memory_space<semaphore_mem>>)
        %dma_wait3A_24 = tpu.memref_slice %arg5[%add3A_11] : memref<320000xi32, #tpu.memory_space<hbm>> -> memref<80xi32, #tpu.memory_space<hbm>>
        %dma_wait3A_25 = tpu.memref_slice %arg5[%add3A_11] : memref<320000xi32, #tpu.memory_space<hbm>> -> memref<80xi32, #tpu.memory_space<hbm>>
        tpu.wait_dma2 semaphore(%run_scoped3A : memref<!tpu.dma_semaphore, #tpu.memory_space<semaphore_mem>>) src(%dma_wait3A_25 : memref<80xi32, #tpu.memory_space<hbm>>) dst(%arg9 : memref<80xi32, #tpu.memory_space<vmem>>)
        tpu.yield
      }) : () -> ()
      %dma_start3A = arith.constant 0 : i32
      %dma_start3A_12 = arith.constant 0 : i32
      %dma_start3A_13 = tpu.memref_slice %arg2[%dma_start3A, %dma_start3A_12] : memref<50000x128xf32, #tpu.memory_space<hbm>> -> memref<50000x128xf32, #tpu.memory_space<hbm>>
      tpu.enqueue_indirect_dma source(%dma_start3A_13 : memref<50000x128xf32, #tpu.memory_space<hbm>>) target(%arg10 : memref<80x128xf32, #tpu.memory_space<vmem>>) offsets(%arg8 : memref<80xi32, #tpu.memory_space<vmem>>) semaphore(%arg12 : memref<!tpu.dma_semaphore, #tpu.memory_space<semaphore_mem>>)
      %dma_start3A_14 = arith.constant 0 : i32
      %dma_start3A_15 = arith.constant 0 : i32
      %dma_start3A_16 = tpu.memref_slice %arg3[%dma_start3A_14, %dma_start3A_15] : memref<10000x128xf32, #tpu.memory_space<hbm>> -> memref<10000x128xf32, #tpu.memory_space<hbm>>
      tpu.enqueue_indirect_dma source(%dma_start3A_16 : memref<10000x128xf32, #tpu.memory_space<hbm>>) target(%arg11 : memref<80x128xf32, #tpu.memory_space<vmem>>) offsets(%arg9 : memref<80xi32, #tpu.memory_space<vmem>>) semaphore(%arg13 : memref<!tpu.dma_semaphore, #tpu.memory_space<semaphore_mem>>)
      %dma_wait3A = arith.constant 0 : i32
      %dma_wait3A_17 = arith.constant 0 : i32
      %dma_wait3A_18 = tpu.memref_slice %arg2[%dma_wait3A, %dma_wait3A_17] : memref<50000x128xf32, #tpu.memory_space<hbm>> -> memref<50000x128xf32, #tpu.memory_space<hbm>>
      tpu.wait_indirect_dma semaphore(%arg12 : memref<!tpu.dma_semaphore, #tpu.memory_space<semaphore_mem>>) src(%dma_wait3A_18 : memref<50000x128xf32, #tpu.memory_space<hbm>>) dst(%arg10 : memref<80x128xf32, #tpu.memory_space<vmem>>)
      %dma_wait3A_19 = arith.constant 0 : i32
      %dma_wait3A_20 = arith.constant 0 : i32
      %dma_wait3A_21 = tpu.memref_slice %arg3[%dma_wait3A_19, %dma_wait3A_20] : memref<10000x128xf32, #tpu.memory_space<hbm>> -> memref<10000x128xf32, #tpu.memory_space<hbm>>
      tpu.wait_indirect_dma semaphore(%arg13 : memref<!tpu.dma_semaphore, #tpu.memory_space<semaphore_mem>>) src(%dma_wait3A_21 : memref<10000x128xf32, #tpu.memory_space<hbm>>) dst(%arg11 : memref<80x128xf32, #tpu.memory_space<vmem>>)
      "tpu.region"() ({
        %run_scoped3A = tpu.sem_alloc : memref<!tpu.dma_semaphore, #tpu.memory_space<semaphore_mem>>
        %dma_start3A_22 = arith.constant 0 : i32
        %dma_start3A_23 = tpu.memref_slice %arg6[%add3A_11, %dma_start3A_22] : memref<320000x128xf32, #tpu.memory_space<hbm>> -> memref<80x128xf32, #tpu.memory_space<hbm>>
        %dma_start3A_24 = arith.constant 0 : i32
        %dma_start3A_25 = tpu.memref_slice %arg6[%add3A_11, %dma_start3A_24] : memref<320000x128xf32, #tpu.memory_space<hbm>> -> memref<80x128xf32, #tpu.memory_space<hbm>>
        tpu.enqueue_dma source(%arg10 : memref<80x128xf32, #tpu.memory_space<vmem>>) target(%dma_start3A_25 : memref<80x128xf32, #tpu.memory_space<hbm>>) target_semaphore(%run_scoped3A : memref<!tpu.dma_semaphore, #tpu.memory_space<semaphore_mem>>)
        %dma_wait3A_26 = arith.constant 0 : i32
        %dma_wait3A_27 = tpu.memref_slice %arg6[%add3A_11, %dma_wait3A_26] : memref<320000x128xf32, #tpu.memory_space<hbm>> -> memref<80x128xf32, #tpu.memory_space<hbm>>
        %dma_wait3A_28 = arith.constant 0 : i32
        %dma_wait3A_29 = tpu.memref_slice %arg6[%add3A_11, %dma_wait3A_28] : memref<320000x128xf32, #tpu.memory_space<hbm>> -> memref<80x128xf32, #tpu.memory_space<hbm>>
        tpu.wait_dma2 semaphore(%run_scoped3A : memref<!tpu.dma_semaphore, #tpu.memory_space<semaphore_mem>>) src(%arg10 : memref<80x128xf32, #tpu.memory_space<vmem>>) dst(%dma_wait3A_29 : memref<80x128xf32, #tpu.memory_space<hbm>>)
        tpu.yield
      }) : () -> ()
      "tpu.region"() ({
        %run_scoped3A = tpu.sem_alloc : memref<!tpu.dma_semaphore, #tpu.memory_space<semaphore_mem>>
        %dma_start3A_22 = arith.constant 0 : i32
        %dma_start3A_23 = tpu.memref_slice %arg7[%add3A_11, %dma_start3A_22] : memref<320000x128xf32, #tpu.memory_space<hbm>> -> memref<80x128xf32, #tpu.memory_space<hbm>>
        %dma_start3A_24 = arith.constant 0 : i32
        %dma_start3A_25 = tpu.memref_slice %arg7[%add3A_11, %dma_start3A_24] : memref<320000x128xf32, #tpu.memory_space<hbm>> -> memref<80x128xf32, #tpu.memory_space<hbm>>
        tpu.enqueue_dma source(%arg11 : memref<80x128xf32, #tpu.memory_space<vmem>>) target(%dma_start3A_25 : memref<80x128xf32, #tpu.memory_space<hbm>>) target_semaphore(%run_scoped3A : memref<!tpu.dma_semaphore, #tpu.memory_space<semaphore_mem>>)
        %dma_wait3A_26 = arith.constant 0 : i32
        %dma_wait3A_27 = tpu.memref_slice %arg7[%add3A_11, %dma_wait3A_26] : memref<320000x128xf32, #tpu.memory_space<hbm>> -> memref<80x128xf32, #tpu.memory_space<hbm>>
        %dma_wait3A_28 = arith.constant 0 : i32
        %dma_wait3A_29 = tpu.memref_slice %arg7[%add3A_11, %dma_wait3A_28] : memref<320000x128xf32, #tpu.memory_space<hbm>> -> memref<80x128xf32, #tpu.memory_space<hbm>>
        tpu.wait_dma2 semaphore(%run_scoped3A : memref<!tpu.dma_semaphore, #tpu.memory_space<semaphore_mem>>) src(%arg11 : memref<80x128xf32, #tpu.memory_space<vmem>>) dst(%dma_wait3A_29 : memref<80x128xf32, #tpu.memory_space<hbm>>)
        tpu.yield
      }) : () -> ()
    }
    %scan3A_7 = arith.constant 125 : i32
    return
  }
}

#map = affine_map<(d0, d1) -> (0, 0)>
#map1 = affine_map<(d0, d1) -> (0)>
#map2 = affine_map<(d0, d1) -> (0, 0, 0)>
module attributes {stable_mosaic.version = 14 : i64} {
  func.func @k(%arg0: i32, %arg1: i32, %arg2: memref<320000x128xf32, #tpu.memory_space<hbm>>, %arg3: memref<320000xi32, #tpu.memory_space<hbm>>, %arg4: memref<10000x128xf32, #tpu.memory_space<hbm>>, %arg5: memref<2x10000x128xf32, #tpu.memory_space<hbm>>, %arg6: memref<80xi32, #tpu.memory_space<vmem>>, %arg7: memref<80x128xf32, #tpu.memory_space<vmem>>, %arg8: memref<10000x128xf32, #tpu.memory_space<vmem_shared>>) attributes {dimension_semantics = [#tpu.dimension_semantics<core_parallel>, #tpu.dimension_semantics<subcore_parallel>], iteration_bounds = array<i64: 2, 16>, scalar_prefetch = 0 : i64, scratch_operands = 3 : i64, tpu.core_type = #tpu.core_type<sc_vector_subcore>, window_params = [{transform_indices = #map}, {transform_indices = #map1}, {transform_indices = #map}, {transform_indices = #map2}]} {
    %mul3A = arith.constant 2 : i32
    %mul3A_0 = arith.muli %arg1, %mul3A : i32
    %add3A = arith.addi %mul3A_0, %arg0 : i32
    %mul3A_1 = arith.constant 624 : i32
    %mul3A_2 = arith.muli %arg1, %mul3A_1 : i32
    %mul3A_3 = arith.constant 624 : i32
    %mul3A_4 = arith.muli %arg1, %mul3A_3 : i32
    "tpu.region"() ({
      %run_scoped3A = tpu.sem_alloc : memref<!tpu.dma_semaphore, #tpu.memory_space<semaphore_mem>>
      %dma_start3A = arith.constant 0 : i32
      %dma_start3A_24 = tpu.memref_slice %arg8[%mul3A_4, %dma_start3A] : memref<10000x128xf32, #tpu.memory_space<vmem_shared>> -> memref<624x128xf32, #tpu.memory_space<vmem_shared>>
      %dma_start3A_25 = arith.constant 0 : i32
      %dma_start3A_26 = tpu.memref_slice %arg4[%mul3A_2, %dma_start3A_25] : memref<10000x128xf32, #tpu.memory_space<hbm>> -> memref<624x128xf32, #tpu.memory_space<hbm>>
      tpu.enqueue_dma source(%dma_start3A_26 : memref<624x128xf32, #tpu.memory_space<hbm>>) target(%dma_start3A_24 : memref<624x128xf32, #tpu.memory_space<vmem_shared>>) target_semaphore(%run_scoped3A : memref<!tpu.dma_semaphore, #tpu.memory_space<semaphore_mem>>)
      %dma_wait3A = arith.constant 0 : i32
      %dma_wait3A_27 = tpu.memref_slice %arg8[%mul3A_4, %dma_wait3A] : memref<10000x128xf32, #tpu.memory_space<vmem_shared>> -> memref<624x128xf32, #tpu.memory_space<vmem_shared>>
      %dma_wait3A_28 = arith.constant 0 : i32
      %dma_wait3A_29 = tpu.memref_slice %arg4[%mul3A_2, %dma_wait3A_28] : memref<10000x128xf32, #tpu.memory_space<hbm>> -> memref<624x128xf32, #tpu.memory_space<hbm>>
      tpu.wait_dma2 semaphore(%run_scoped3A : memref<!tpu.dma_semaphore, #tpu.memory_space<semaphore_mem>>) src(%dma_wait3A_29 : memref<624x128xf32, #tpu.memory_space<hbm>>) dst(%dma_wait3A_27 : memref<624x128xf32, #tpu.memory_space<vmem_shared>>)
      tpu.yield
    }) : () -> ()
    %eq3A = arith.constant 15 : i32
    %eq3A_5 = arith.cmpi eq, %arg1, %eq3A : i32
    %convert_element_type3A = arith.extui %eq3A_5 : i1 to i32
    %cond3A = arith.constant 0 : i32
    %cond3A_6 = arith.cmpi ne, %convert_element_type3A, %cond3A : i32
    scf.if %cond3A_6 {
      "tpu.region"() ({
        %run_scoped3A = tpu.sem_alloc : memref<!tpu.dma_semaphore, #tpu.memory_space<semaphore_mem>>
        %dma_start3A = arith.constant 9984 : i32
        %dma_start3A_24 = arith.constant 0 : i32
        %dma_start3A_25 = tpu.memref_slice %arg8[%dma_start3A, %dma_start3A_24] : memref<10000x128xf32, #tpu.memory_space<vmem_shared>> -> memref<16x128xf32, #tpu.memory_space<vmem_shared>>
        %dma_start3A_26 = arith.constant 9984 : i32
        %dma_start3A_27 = arith.constant 0 : i32
        %dma_start3A_28 = tpu.memref_slice %arg4[%dma_start3A_26, %dma_start3A_27] : memref<10000x128xf32, #tpu.memory_space<hbm>> -> memref<16x128xf32, #tpu.memory_space<hbm>>
        tpu.enqueue_dma source(%dma_start3A_28 : memref<16x128xf32, #tpu.memory_space<hbm>>) target(%dma_start3A_25 : memref<16x128xf32, #tpu.memory_space<vmem_shared>>) target_semaphore(%run_scoped3A : memref<!tpu.dma_semaphore, #tpu.memory_space<semaphore_mem>>)
        %dma_wait3A = arith.constant 9984 : i32
        %dma_wait3A_29 = arith.constant 0 : i32
        %dma_wait3A_30 = tpu.memref_slice %arg8[%dma_wait3A, %dma_wait3A_29] : memref<10000x128xf32, #tpu.memory_space<vmem_shared>> -> memref<16x128xf32, #tpu.memory_space<vmem_shared>>
        %dma_wait3A_31 = arith.constant 9984 : i32
        %dma_wait3A_32 = arith.constant 0 : i32
        %dma_wait3A_33 = tpu.memref_slice %arg4[%dma_wait3A_31, %dma_wait3A_32] : memref<10000x128xf32, #tpu.memory_space<hbm>> -> memref<16x128xf32, #tpu.memory_space<hbm>>
        tpu.wait_dma2 semaphore(%run_scoped3A : memref<!tpu.dma_semaphore, #tpu.memory_space<semaphore_mem>>) src(%dma_wait3A_33 : memref<16x128xf32, #tpu.memory_space<hbm>>) dst(%dma_wait3A_30 : memref<16x128xf32, #tpu.memory_space<vmem_shared>>)
        tpu.yield
      }) : () -> ()
    } else {
    }
    %barrier3A = arith.constant 0 : index
    tpu.barrier barrier_id(%barrier3A)
    %mul3A_7 = arith.constant 10000 : i32
    %mul3A_8 = arith.muli %add3A, %mul3A_7 : i32
    %scan3A = arith.constant 0 : i32
    %scan3A_9 = arith.constant 0 : i32
    %scan3A_10 = arith.constant 125 : i32
    %scan3A_11 = arith.addi %scan3A_9, %scan3A_10 : i32
    %scan3A_12 = arith.constant 1 : i32
    scf.for %scan3A_24 = %scan3A_9 to %scan3A_11 step %scan3A_12  : i32 {
      %mul3A_25 = arith.constant 80 : i32
      %mul3A_26 = arith.muli %scan3A_24, %mul3A_25 : i32
      %add3A_27 = arith.addi %mul3A_8, %mul3A_26 : i32
      "tpu.region"() ({
        %run_scoped3A = tpu.sem_alloc : memref<!tpu.dma_semaphore, #tpu.memory_space<semaphore_mem>>
        %dma_start3A = tpu.memref_slice %arg3[%add3A_27] : memref<320000xi32, #tpu.memory_space<hbm>> -> memref<80xi32, #tpu.memory_space<hbm>>
        %dma_start3A_28 = tpu.memref_slice %arg3[%add3A_27] : memref<320000xi32, #tpu.memory_space<hbm>> -> memref<80xi32, #tpu.memory_space<hbm>>
        tpu.enqueue_dma source(%dma_start3A_28 : memref<80xi32, #tpu.memory_space<hbm>>) target(%arg6 : memref<80xi32, #tpu.memory_space<vmem>>) target_semaphore(%run_scoped3A : memref<!tpu.dma_semaphore, #tpu.memory_space<semaphore_mem>>)
        %dma_wait3A = tpu.memref_slice %arg3[%add3A_27] : memref<320000xi32, #tpu.memory_space<hbm>> -> memref<80xi32, #tpu.memory_space<hbm>>
        %dma_wait3A_29 = tpu.memref_slice %arg3[%add3A_27] : memref<320000xi32, #tpu.memory_space<hbm>> -> memref<80xi32, #tpu.memory_space<hbm>>
        tpu.wait_dma2 semaphore(%run_scoped3A : memref<!tpu.dma_semaphore, #tpu.memory_space<semaphore_mem>>) src(%dma_wait3A_29 : memref<80xi32, #tpu.memory_space<hbm>>) dst(%arg6 : memref<80xi32, #tpu.memory_space<vmem>>)
        tpu.yield
      }) : () -> ()
      "tpu.region"() ({
        %run_scoped3A = tpu.sem_alloc : memref<!tpu.dma_semaphore, #tpu.memory_space<semaphore_mem>>
        %dma_start3A = arith.constant 0 : i32
        %dma_start3A_28 = tpu.memref_slice %arg2[%add3A_27, %dma_start3A] : memref<320000x128xf32, #tpu.memory_space<hbm>> -> memref<80x128xf32, #tpu.memory_space<hbm>>
        %dma_start3A_29 = arith.constant 0 : i32
        %dma_start3A_30 = tpu.memref_slice %arg2[%add3A_27, %dma_start3A_29] : memref<320000x128xf32, #tpu.memory_space<hbm>> -> memref<80x128xf32, #tpu.memory_space<hbm>>
        tpu.enqueue_dma source(%dma_start3A_30 : memref<80x128xf32, #tpu.memory_space<hbm>>) target(%arg7 : memref<80x128xf32, #tpu.memory_space<vmem>>) target_semaphore(%run_scoped3A : memref<!tpu.dma_semaphore, #tpu.memory_space<semaphore_mem>>)
        %dma_wait3A = arith.constant 0 : i32
        %dma_wait3A_31 = tpu.memref_slice %arg2[%add3A_27, %dma_wait3A] : memref<320000x128xf32, #tpu.memory_space<hbm>> -> memref<80x128xf32, #tpu.memory_space<hbm>>
        %dma_wait3A_32 = arith.constant 0 : i32
        %dma_wait3A_33 = tpu.memref_slice %arg2[%add3A_27, %dma_wait3A_32] : memref<320000x128xf32, #tpu.memory_space<hbm>> -> memref<80x128xf32, #tpu.memory_space<hbm>>
        tpu.wait_dma2 semaphore(%run_scoped3A : memref<!tpu.dma_semaphore, #tpu.memory_space<semaphore_mem>>) src(%dma_wait3A_33 : memref<80x128xf32, #tpu.memory_space<hbm>>) dst(%arg7 : memref<80x128xf32, #tpu.memory_space<vmem>>)
        tpu.yield
      }) : () -> ()
      "tpu.region"() ({
        %run_scoped3A = tpu.sem_alloc : memref<!tpu.dma_semaphore, #tpu.memory_space<semaphore_mem>>
        %dma_start3A = arith.constant 0 : i32
        %dma_start3A_28 = arith.constant 0 : i32
        %dma_start3A_29 = tpu.memref_slice %arg8[%dma_start3A, %dma_start3A_28] : memref<10000x128xf32, #tpu.memory_space<vmem_shared>> -> memref<10000x128xf32, #tpu.memory_space<vmem_shared>>
        tpu.enqueue_indirect_dma source(%arg7 : memref<80x128xf32, #tpu.memory_space<vmem>>) target(%dma_start3A_29 : memref<10000x128xf32, #tpu.memory_space<vmem_shared>>) offsets(%arg6 : memref<80xi32, #tpu.memory_space<vmem>>) semaphore(%run_scoped3A : memref<!tpu.dma_semaphore, #tpu.memory_space<semaphore_mem>>) {add = true}
        %dma_wait3A = arith.constant 0 : i32
        %dma_wait3A_30 = arith.constant 0 : i32
        %dma_wait3A_31 = tpu.memref_slice %arg8[%dma_wait3A, %dma_wait3A_30] : memref<10000x128xf32, #tpu.memory_space<vmem_shared>> -> memref<10000x128xf32, #tpu.memory_space<vmem_shared>>
        tpu.wait_indirect_dma semaphore(%run_scoped3A : memref<!tpu.dma_semaphore, #tpu.memory_space<semaphore_mem>>) src(%arg7 : memref<80x128xf32, #tpu.memory_space<vmem>>) dst(%dma_wait3A_31 : memref<10000x128xf32, #tpu.memory_space<vmem_shared>>)
        tpu.yield
      }) : () -> ()
    }
    %scan3A_13 = arith.constant 125 : i32
    %barrier3A_14 = arith.constant 0 : index
    tpu.barrier barrier_id(%barrier3A_14)
    %mul3A_15 = arith.constant 624 : i32
    %mul3A_16 = arith.muli %arg1, %mul3A_15 : i32
    %mul3A_17 = arith.constant 624 : i32
    %mul3A_18 = arith.muli %arg1, %mul3A_17 : i32
    "tpu.region"() ({
      %run_scoped3A = tpu.sem_alloc : memref<!tpu.dma_semaphore, #tpu.memory_space<semaphore_mem>>
      %dma_start3A = arith.constant 0 : i32
      %dma_start3A_24 = tpu.memref_slice %arg5[%arg0, %mul3A_18, %dma_start3A] : memref<2x10000x128xf32, #tpu.memory_space<hbm>> -> memref<1x624x128xf32, #tpu.memory_space<hbm>>
      %dma_start3A_25 = tpu.memref_squeeze %dma_start3A_24 : memref<1x624x128xf32, #tpu.memory_space<hbm>> -> memref<624x128xf32, #tpu.memory_space<hbm>>
      %dma_start3A_26 = arith.constant 0 : i32
      %dma_start3A_27 = tpu.memref_slice %arg8[%mul3A_16, %dma_start3A_26] : memref<10000x128xf32, #tpu.memory_space<vmem_shared>> -> memref<624x128xf32, #tpu.memory_space<vmem_shared>>
      tpu.enqueue_dma source(%dma_start3A_27 : memref<624x128xf32, #tpu.memory_space<vmem_shared>>) target(%dma_start3A_25 : memref<624x128xf32, #tpu.memory_space<hbm>>) target_semaphore(%run_scoped3A : memref<!tpu.dma_semaphore, #tpu.memory_space<semaphore_mem>>)
      %dma_wait3A = arith.constant 0 : i32
      %dma_wait3A_28 = tpu.memref_slice %arg5[%arg0, %mul3A_18, %dma_wait3A] : memref<2x10000x128xf32, #tpu.memory_space<hbm>> -> memref<1x624x128xf32, #tpu.memory_space<hbm>>
      %dma_wait3A_29 = tpu.memref_squeeze %dma_wait3A_28 : memref<1x624x128xf32, #tpu.memory_space<hbm>> -> memref<624x128xf32, #tpu.memory_space<hbm>>
      %dma_wait3A_30 = arith.constant 0 : i32
      %dma_wait3A_31 = tpu.memref_slice %arg8[%mul3A_16, %dma_wait3A_30] : memref<10000x128xf32, #tpu.memory_space<vmem_shared>> -> memref<624x128xf32, #tpu.memory_space<vmem_shared>>
      tpu.wait_dma2 semaphore(%run_scoped3A : memref<!tpu.dma_semaphore, #tpu.memory_space<semaphore_mem>>) src(%dma_wait3A_31 : memref<624x128xf32, #tpu.memory_space<vmem_shared>>) dst(%dma_wait3A_29 : memref<624x128xf32, #tpu.memory_space<hbm>>)
      tpu.yield
    }) : () -> ()
    %eq3A_19 = arith.constant 15 : i32
    %eq3A_20 = arith.cmpi eq, %arg1, %eq3A_19 : i32
    %convert_element_type3A_21 = arith.extui %eq3A_20 : i1 to i32
    %cond3A_22 = arith.constant 0 : i32
    %cond3A_23 = arith.cmpi ne, %convert_element_type3A_21, %cond3A_22 : i32
    scf.if %cond3A_23 {
      "tpu.region"() ({
        %run_scoped3A = tpu.sem_alloc : memref<!tpu.dma_semaphore, #tpu.memory_space<semaphore_mem>>
        %dma_start3A = arith.constant 9984 : i32
        %dma_start3A_24 = arith.constant 0 : i32
        %dma_start3A_25 = tpu.memref_slice %arg5[%arg0, %dma_start3A, %dma_start3A_24] : memref<2x10000x128xf32, #tpu.memory_space<hbm>> -> memref<1x16x128xf32, #tpu.memory_space<hbm>>
        %dma_start3A_26 = tpu.memref_squeeze %dma_start3A_25 : memref<1x16x128xf32, #tpu.memory_space<hbm>> -> memref<16x128xf32, #tpu.memory_space<hbm>>
        %dma_start3A_27 = arith.constant 9984 : i32
        %dma_start3A_28 = arith.constant 0 : i32
        %dma_start3A_29 = tpu.memref_slice %arg8[%dma_start3A_27, %dma_start3A_28] : memref<10000x128xf32, #tpu.memory_space<vmem_shared>> -> memref<16x128xf32, #tpu.memory_space<vmem_shared>>
        tpu.enqueue_dma source(%dma_start3A_29 : memref<16x128xf32, #tpu.memory_space<vmem_shared>>) target(%dma_start3A_26 : memref<16x128xf32, #tpu.memory_space<hbm>>) target_semaphore(%run_scoped3A : memref<!tpu.dma_semaphore, #tpu.memory_space<semaphore_mem>>)
        %dma_wait3A = arith.constant 9984 : i32
        %dma_wait3A_30 = arith.constant 0 : i32
        %dma_wait3A_31 = tpu.memref_slice %arg5[%arg0, %dma_wait3A, %dma_wait3A_30] : memref<2x10000x128xf32, #tpu.memory_space<hbm>> -> memref<1x16x128xf32, #tpu.memory_space<hbm>>
        %dma_wait3A_32 = tpu.memref_squeeze %dma_wait3A_31 : memref<1x16x128xf32, #tpu.memory_space<hbm>> -> memref<16x128xf32, #tpu.memory_space<hbm>>
        %dma_wait3A_33 = arith.constant 9984 : i32
        %dma_wait3A_34 = arith.constant 0 : i32
        %dma_wait3A_35 = tpu.memref_slice %arg8[%dma_wait3A_33, %dma_wait3A_34] : memref<10000x128xf32, #tpu.memory_space<vmem_shared>> -> memref<16x128xf32, #tpu.memory_space<vmem_shared>>
        tpu.wait_dma2 semaphore(%run_scoped3A : memref<!tpu.dma_semaphore, #tpu.memory_space<semaphore_mem>>) src(%dma_wait3A_35 : memref<16x128xf32, #tpu.memory_space<vmem_shared>>) dst(%dma_wait3A_32 : memref<16x128xf32, #tpu.memory_space<hbm>>)
        tpu.yield
      }) : () -> ()
    } else {
    }
    return
  }
}

module attributes {stable_mosaic.version = 14 : i64} {
  func.func @_embed_body(%arg0: i32, %arg1: memref<2000x3xf32, #tpu.memory_space<vmem>>, %arg2: memref<3x128xf32, #tpu.memory_space<vmem>>, %arg3: memref<1x128xf32, #tpu.memory_space<vmem>>, %arg4: memref<128x128xf32, #tpu.memory_space<vmem>>, %arg5: memref<1x128xf32, #tpu.memory_space<vmem>>, %arg6: memref<1x128xf32, #tpu.memory_space<vmem>>, %arg7: memref<1x128xf32, #tpu.memory_space<vmem>>, %arg8: memref<2000x128xf32, #tpu.memory_space<vmem>>) attributes {dimension_semantics = [#tpu.dimension_semantics<arbitrary>], iteration_bounds = array<i64: 5>, scalar_prefetch = 0 : i64, scratch_operands = 0 : i64, tpu.core_type = #tpu.core_type<tc>, window_params = [{transform_indices = @transform_0, window_bounds = array<i64: 2000, 3>}, {pipeline_mode = #tpu.pipeline_mode<synchronous>, transform_indices = @transform_1, window_bounds = array<i64: 3, 128>}, {pipeline_mode = #tpu.pipeline_mode<synchronous>, transform_indices = @transform_2, window_bounds = array<i64: 1, 128>}, {pipeline_mode = #tpu.pipeline_mode<synchronous>, transform_indices = @transform_3, window_bounds = array<i64: 128, 128>}, {pipeline_mode = #tpu.pipeline_mode<synchronous>, transform_indices = @transform_4, window_bounds = array<i64: 1, 128>}, {pipeline_mode = #tpu.pipeline_mode<synchronous>, transform_indices = @transform_5, window_bounds = array<i64: 1, 128>}, {pipeline_mode = #tpu.pipeline_mode<synchronous>, transform_indices = @transform_6, window_bounds = array<i64: 1, 128>}, {transform_indices = @transform_7, window_bounds = array<i64: 2000, 128>}]} {
    %get3A = arith.constant 0 : index
    %get3A_0 = arith.constant 0 : index
    %get3A_1 = vector.load %arg1[%get3A, %get3A_0] : memref<2000x3xf32, #tpu.memory_space<vmem>>, vector<2000x3xf32>
    %get3A_2 = arith.constant 0 : index
    %get3A_3 = arith.constant 0 : index
    %get3A_4 = vector.load %arg2[%get3A_2, %get3A_3] : memref<3x128xf32, #tpu.memory_space<vmem>>, vector<3x128xf32>
    %dot_general3A = arith.constant dense<0.000000e+00> : vector<2000x128xf32>
    %dot_general3A_5 = tpu.matmul %get3A_1, %get3A_4, %dot_general3A {dimension_numbers = #tpu.dot_dimension_numbers<[1], [0], [0], [1], [0, 0, 1, 1], [], []>, transpose_lhs_hint = false} : vector<2000x3xf32>, vector<3x128xf32>, vector<2000x128xf32> -> vector<2000x128xf32>
    %get3A_6 = arith.constant 0 : index
    %get3A_7 = arith.constant 0 : index
    %get3A_8 = vector.load %arg3[%get3A_6, %get3A_7] : memref<1x128xf32, #tpu.memory_space<vmem>>, vector<1x128xf32>
    %add3A = vector.broadcast %get3A_8 : vector<1x128xf32> to vector<2000x128xf32>
    %add3A_9 = arith.addf %dot_general3A_5, %add3A : vector<2000x128xf32>
    %logistic3A = arith.negf %add3A_9 : vector<2000x128xf32>
    %logistic3A_10 = math.exp %logistic3A : vector<2000x128xf32>
    %logistic3A_11 = arith.constant 1.000000e+00 : f32
    %logistic3A_12 = vector.broadcast %logistic3A_11 : f32 to vector<2000x128xf32>
    %logistic3A_13 = arith.addf %logistic3A_12, %logistic3A_10 : vector<2000x128xf32>
    %logistic3A_14 = arith.divf %logistic3A_12, %logistic3A_13 : vector<2000x128xf32>
    %mul3A = arith.mulf %add3A_9, %logistic3A_14 : vector<2000x128xf32>
    %get3A_15 = arith.constant 0 : index
    %get3A_16 = arith.constant 0 : index
    %get3A_17 = vector.load %arg4[%get3A_15, %get3A_16] : memref<128x128xf32, #tpu.memory_space<vmem>>, vector<128x128xf32>
    %dot_general3A_18 = arith.constant dense<0.000000e+00> : vector<2000x128xf32>
    %dot_general3A_19 = tpu.matmul %mul3A, %get3A_17, %dot_general3A_18 {dimension_numbers = #tpu.dot_dimension_numbers<[1], [0], [0], [1], [0, 0, 1, 1], [], []>, transpose_lhs_hint = false} : vector<2000x128xf32>, vector<128x128xf32>, vector<2000x128xf32> -> vector<2000x128xf32>
    %get3A_20 = arith.constant 0 : index
    %get3A_21 = arith.constant 0 : index
    %get3A_22 = vector.load %arg5[%get3A_20, %get3A_21] : memref<1x128xf32, #tpu.memory_space<vmem>>, vector<1x128xf32>
    %add3A_23 = vector.broadcast %get3A_22 : vector<1x128xf32> to vector<2000x128xf32>
    %add3A_24 = arith.addf %dot_general3A_19, %add3A_23 : vector<2000x128xf32>
    %get3A_25 = arith.constant 0 : index
    %get3A_26 = arith.constant 0 : index
    %get3A_27 = vector.load %arg6[%get3A_25, %get3A_26] : memref<1x128xf32, #tpu.memory_space<vmem>>, vector<1x128xf32>
    %get3A_28 = arith.constant 0 : index
    %get3A_29 = arith.constant 0 : index
    %get3A_30 = vector.load %arg7[%get3A_28, %get3A_29] : memref<1x128xf32, #tpu.memory_space<vmem>>, vector<1x128xf32>
    %reduce_sum3A = arith.constant dense<0.000000e+00> : vector<2000xf32>
    %reduce_sum3A_31 = vector.multi_reduction <add>, %add3A_24, %reduce_sum3A [1] : vector<2000x128xf32> to vector<2000xf32>
    %broadcast_in_dim3A = vector.shape_cast %reduce_sum3A_31 : vector<2000xf32> to vector<2000x1xf32>
    %div3A = arith.constant 1.280000e+02 : f32
    %div3A_32 = vector.broadcast %div3A : f32 to vector<2000x1xf32>
    %div3A_33 = arith.divf %broadcast_in_dim3A, %div3A_32 : vector<2000x1xf32>
    %sub3A = vector.broadcast %div3A_33 : vector<2000x1xf32> to vector<2000x128xf32>
    %sub3A_34 = arith.subf %add3A_24, %sub3A : vector<2000x128xf32>
    %integer_pow3A = arith.mulf %sub3A_34, %sub3A_34 : vector<2000x128xf32>
    %reduce_sum3A_35 = arith.constant dense<0.000000e+00> : vector<2000xf32>
    %reduce_sum3A_36 = vector.multi_reduction <add>, %integer_pow3A, %reduce_sum3A_35 [1] : vector<2000x128xf32> to vector<2000xf32>
    %broadcast_in_dim3A_37 = vector.shape_cast %reduce_sum3A_36 : vector<2000xf32> to vector<2000x1xf32>
    %div3A_38 = arith.constant 1.280000e+02 : f32
    %div3A_39 = vector.broadcast %div3A_38 : f32 to vector<2000x1xf32>
    %div3A_40 = arith.divf %broadcast_in_dim3A_37, %div3A_39 : vector<2000x1xf32>
    %sub3A_41 = vector.broadcast %div3A_33 : vector<2000x1xf32> to vector<2000x128xf32>
    %sub3A_42 = arith.subf %add3A_24, %sub3A_41 : vector<2000x128xf32>
    %add3A_43 = arith.constant 9.99999974E-6 : f32
    %add3A_44 = vector.broadcast %add3A_43 : f32 to vector<2000x1xf32>
    %add3A_45 = arith.addf %div3A_40, %add3A_44 : vector<2000x1xf32>
    %rsqrt3A = math.rsqrt %add3A_45 : vector<2000x1xf32>
    %mul3A_46 = vector.broadcast %rsqrt3A : vector<2000x1xf32> to vector<2000x128xf32>
    %mul3A_47 = arith.mulf %sub3A_42, %mul3A_46 : vector<2000x128xf32>
    %mul3A_48 = vector.broadcast %get3A_27 : vector<1x128xf32> to vector<2000x128xf32>
    %mul3A_49 = arith.mulf %mul3A_47, %mul3A_48 : vector<2000x128xf32>
    %add3A_50 = vector.broadcast %get3A_30 : vector<1x128xf32> to vector<2000x128xf32>
    %add3A_51 = arith.addf %mul3A_49, %add3A_50 : vector<2000x128xf32>
    %swap3A = arith.constant 0 : index
    %swap3A_52 = arith.constant 0 : index
    %swap3A_53 = vector.load %arg8[%swap3A, %swap3A_52] : memref<2000x128xf32, #tpu.memory_space<vmem>>, vector<2000x128xf32>
    tpu.vector_store %arg8[%swap3A, %swap3A_52], %add3A_51 {strides = array<i32>} : memref<2000x128xf32, #tpu.memory_space<vmem>>, vector<2000x128xf32>,
    return
  }
  func.func @transform_0(%arg0: i32) -> (i32, i32) {
    %c0_i32 = arith.constant 0 : i32
    %c0_i32_0 = arith.constant 0 : i32
    return %arg0, %c0_i32 : i32, i32
  }
  func.func @transform_1(%arg0: i32) -> (i32, i32) {
    %c0_i32 = arith.constant 0 : i32
    %c0_i32_0 = arith.constant 0 : i32
    %c0_i32_1 = arith.constant 0 : i32
    return %c0_i32, %c0_i32_0 : i32, i32
  }
  func.func @transform_2(%arg0: i32) -> (i32, i32) {
    %c0_i32 = arith.constant 0 : i32
    %c0_i32_0 = arith.constant 0 : i32
    %c0_i32_1 = arith.constant 0 : i32
    return %c0_i32, %c0_i32_0 : i32, i32
  }
  func.func @transform_3(%arg0: i32) -> (i32, i32) {
    %c0_i32 = arith.constant 0 : i32
    %c0_i32_0 = arith.constant 0 : i32
    %c0_i32_1 = arith.constant 0 : i32
    return %c0_i32, %c0_i32_0 : i32, i32
  }
  func.func @transform_4(%arg0: i32) -> (i32, i32) {
    %c0_i32 = arith.constant 0 : i32
    %c0_i32_0 = arith.constant 0 : i32
    %c0_i32_1 = arith.constant 0 : i32
    return %c0_i32, %c0_i32_0 : i32, i32
  }
  func.func @transform_5(%arg0: i32) -> (i32, i32) {
    %c0_i32 = arith.constant 0 : i32
    %c0_i32_0 = arith.constant 0 : i32
    %c0_i32_1 = arith.constant 0 : i32
    return %c0_i32, %c0_i32_0 : i32, i32
  }
  func.func @transform_6(%arg0: i32) -> (i32, i32) {
    %c0_i32 = arith.constant 0 : i32
    %c0_i32_0 = arith.constant 0 : i32
    %c0_i32_1 = arith.constant 0 : i32
    return %c0_i32, %c0_i32_0 : i32, i32
  }
  func.func @transform_7(%arg0: i32) -> (i32, i32) {
    %c0_i32 = arith.constant 0 : i32
    %c0_i32_0 = arith.constant 0 : i32
    return %arg0, %c0_i32 : i32, i32
  }
}

module attributes {stable_mosaic.version = 14 : i64} {
  func.func @_proj_body(%arg0: i32, %arg1: memref<2000x128xf32, #tpu.memory_space<vmem>>, %arg2: memref<128x128xf32, #tpu.memory_space<vmem>>, %arg3: memref<1x128xf32, #tpu.memory_space<vmem>>, %arg4: memref<2000x128xf32, #tpu.memory_space<vmem>>) attributes {dimension_semantics = [#tpu.dimension_semantics<arbitrary>], iteration_bounds = array<i64: 5>, scalar_prefetch = 0 : i64, scratch_operands = 0 : i64, tpu.core_type = #tpu.core_type<tc>, window_params = [{transform_indices = @transform_0, window_bounds = array<i64: 2000, 128>}, {pipeline_mode = #tpu.pipeline_mode<synchronous>, transform_indices = @transform_1, window_bounds = array<i64: 128, 128>}, {pipeline_mode = #tpu.pipeline_mode<synchronous>, transform_indices = @transform_2, window_bounds = array<i64: 1, 128>}, {transform_indices = @transform_3, window_bounds = array<i64: 2000, 128>}]} {
    %get3A = arith.constant 0 : index
    %get3A_0 = arith.constant 0 : index
    %get3A_1 = vector.load %arg1[%get3A, %get3A_0] : memref<2000x128xf32, #tpu.memory_space<vmem>>, vector<2000x128xf32>
    %get3A_2 = arith.constant 0 : index
    %get3A_3 = arith.constant 0 : index
    %get3A_4 = vector.load %arg2[%get3A_2, %get3A_3] : memref<128x128xf32, #tpu.memory_space<vmem>>, vector<128x128xf32>
    %dot_general3A = arith.constant dense<0.000000e+00> : vector<2000x128xf32>
    %dot_general3A_5 = tpu.matmul %get3A_1, %get3A_4, %dot_general3A {dimension_numbers = #tpu.dot_dimension_numbers<[1], [0], [0], [1], [0, 0, 1, 1], [], []>, transpose_lhs_hint = false} : vector<2000x128xf32>, vector<128x128xf32>, vector<2000x128xf32> -> vector<2000x128xf32>
    %get3A_6 = arith.constant 0 : index
    %get3A_7 = arith.constant 0 : index
    %get3A_8 = vector.load %arg3[%get3A_6, %get3A_7] : memref<1x128xf32, #tpu.memory_space<vmem>>, vector<1x128xf32>
    %add3A = vector.broadcast %get3A_8 : vector<1x128xf32> to vector<2000x128xf32>
    %add3A_9 = arith.addf %dot_general3A_5, %add3A : vector<2000x128xf32>
    %swap3A = arith.constant 0 : index
    %swap3A_10 = arith.constant 0 : index
    %swap3A_11 = vector.load %arg4[%swap3A, %swap3A_10] : memref<2000x128xf32, #tpu.memory_space<vmem>>, vector<2000x128xf32>
    tpu.vector_store %arg4[%swap3A, %swap3A_10], %add3A_9 {strides = array<i32>} : memref<2000x128xf32, #tpu.memory_space<vmem>>, vector<2000x128xf32>,
    return
  }
  func.func @transform_0(%arg0: i32) -> (i32, i32) {
    %c0_i32 = arith.constant 0 : i32
    %c0_i32_0 = arith.constant 0 : i32
    return %arg0, %c0_i32 : i32, i32
  }
  func.func @transform_1(%arg0: i32) -> (i32, i32) {
    %c0_i32 = arith.constant 0 : i32
    %c0_i32_0 = arith.constant 0 : i32
    %c0_i32_1 = arith.constant 0 : i32
    return %c0_i32, %c0_i32_0 : i32, i32
  }
  func.func @transform_2(%arg0: i32) -> (i32, i32) {
    %c0_i32 = arith.constant 0 : i32
    %c0_i32_0 = arith.constant 0 : i32
    %c0_i32_1 = arith.constant 0 : i32
    return %c0_i32, %c0_i32_0 : i32, i32
  }
  func.func @transform_3(%arg0: i32) -> (i32, i32) {
    %c0_i32 = arith.constant 0 : i32
    %c0_i32_0 = arith.constant 0 : i32
    return %arg0, %c0_i32 : i32, i32
  }
}

module attributes {stable_mosaic.version = 14 : i64} {
  func.func @_grid_kernel_body(%arg0: i32, %arg1: memref<2000x96xf32, #tpu.memory_space<vmem>>, %arg2: memref<2000x32xf32, #tpu.memory_space<vmem>>, %arg3: memref<96x128xf32, #tpu.memory_space<vmem>>, %arg4: memref<32x128xf32, #tpu.memory_space<vmem>>, %arg5: memref<1x128xf32, #tpu.memory_space<vmem>>, %arg6: memref<128x128xf32, #tpu.memory_space<vmem>>, %arg7: memref<1x128xf32, #tpu.memory_space<vmem>>, %arg8: memref<1x128xf32, #tpu.memory_space<vmem>>, %arg9: memref<1x128xf32, #tpu.memory_space<vmem>>, %arg10: memref<128x128xf32, #tpu.memory_space<vmem>>, %arg11: memref<128x128xf32, #tpu.memory_space<vmem>>, %arg12: memref<1x128xf32, #tpu.memory_space<vmem>>, %arg13: memref<128x128xf32, #tpu.memory_space<vmem>>, %arg14: memref<1x128xf32, #tpu.memory_space<vmem>>, %arg15: memref<1x128xf32, #tpu.memory_space<vmem>>, %arg16: memref<1x128xf32, #tpu.memory_space<vmem>>, %arg17: memref<2000x128xf32, #tpu.memory_space<vmem>>, %arg18: memref<2000x128xf32, #tpu.memory_space<vmem>>, %arg19: memref<2000x128xf32, #tpu.memory_space<vmem>>) attributes {dimension_semantics = [#tpu.dimension_semantics<arbitrary>], iteration_bounds = array<i64: 25>, scalar_prefetch = 0 : i64, scratch_operands = 0 : i64, tpu.core_type = #tpu.core_type<tc>, window_params = [{transform_indices = @transform_0, window_bounds = array<i64: 2000, 96>}, {transform_indices = @transform_1, window_bounds = array<i64: 2000, 32>}, {pipeline_mode = #tpu.pipeline_mode<synchronous>, transform_indices = @transform_2, window_bounds = array<i64: 96, 128>}, {pipeline_mode = #tpu.pipeline_mode<synchronous>, transform_indices = @transform_3, window_bounds = array<i64: 32, 128>}, {pipeline_mode = #tpu.pipeline_mode<synchronous>, transform_indices = @transform_4, window_bounds = array<i64: 1, 128>}, {pipeline_mode = #tpu.pipeline_mode<synchronous>, transform_indices = @transform_5, window_bounds = array<i64: 128, 128>}, {pipeline_mode = #tpu.pipeline_mode<synchronous>, transform_indices = @transform_6, window_bounds = array<i64: 1, 128>}, {pipeline_mode = #tpu.pipeline_mode<synchronous>, transform_indices = @transform_7, window_bounds = array<i64: 1, 128>}, {pipeline_mode = #tpu.pipeline_mode<synchronous>, transform_indices = @transform_8, window_bounds = array<i64: 1, 128>}, {pipeline_mode = #tpu.pipeline_mode<synchronous>, transform_indices = @transform_9, window_bounds = array<i64: 128, 128>}, {pipeline_mode = #tpu.pipeline_mode<synchronous>, transform_indices = @transform_10, window_bounds = array<i64: 128, 128>}, {pipeline_mode = #tpu.pipeline_mode<synchronous>, transform_indices = @transform_11, window_bounds = array<i64: 1, 128>}, {pipeline_mode = #tpu.pipeline_mode<synchronous>, transform_indices = @transform_12, window_bounds = array<i64: 128, 128>}, {pipeline_mode = #tpu.pipeline_mode<synchronous>, transform_indices = @transform_13, window_bounds = array<i64: 1, 128>}, {pipeline_mode = #tpu.pipeline_mode<synchronous>, transform_indices = @transform_14, window_bounds = array<i64: 1, 128>}, {pipeline_mode = #tpu.pipeline_mode<synchronous>, transform_indices = @transform_15, window_bounds = array<i64: 1, 128>}, {transform_indices = @transform_16, window_bounds = array<i64: 2000, 128>}, {transform_indices = @transform_17, window_bounds = array<i64: 2000, 128>}, {transform_indices = @transform_18, window_bounds = array<i64: 2000, 128>}]} {
    %get3A = arith.constant 0 : index
    %get3A_0 = arith.constant 0 : index
    %get3A_1 = vector.load %arg1[%get3A, %get3A_0] : memref<2000x96xf32, #tpu.memory_space<vmem>>, vector<2000x96xf32>
    %get3A_2 = arith.constant 0 : index
    %get3A_3 = arith.constant 0 : index
    %get3A_4 = vector.load %arg3[%get3A_2, %get3A_3] : memref<96x128xf32, #tpu.memory_space<vmem>>, vector<96x128xf32>
    %dot_general3A = arith.constant dense<0.000000e+00> : vector<2000x128xf32>
    %dot_general3A_5 = tpu.matmul %get3A_1, %get3A_4, %dot_general3A {dimension_numbers = #tpu.dot_dimension_numbers<[1], [0], [0], [1], [0, 0, 1, 1], [], []>, transpose_lhs_hint = false} : vector<2000x96xf32>, vector<96x128xf32>, vector<2000x128xf32> -> vector<2000x128xf32>
    %get3A_6 = arith.constant 0 : index
    %get3A_7 = arith.constant 0 : index
    %get3A_8 = vector.load %arg2[%get3A_6, %get3A_7] : memref<2000x32xf32, #tpu.memory_space<vmem>>, vector<2000x32xf32>
    %get3A_9 = arith.constant 0 : index
    %get3A_10 = arith.constant 0 : index
    %get3A_11 = vector.load %arg4[%get3A_9, %get3A_10] : memref<32x128xf32, #tpu.memory_space<vmem>>, vector<32x128xf32>
    %dot_general3A_12 = arith.constant dense<0.000000e+00> : vector<2000x128xf32>
    %dot_general3A_13 = tpu.matmul %get3A_8, %get3A_11, %dot_general3A_12 {dimension_numbers = #tpu.dot_dimension_numbers<[1], [0], [0], [1], [0, 0, 1, 1], [], []>, transpose_lhs_hint = false} : vector<2000x32xf32>, vector<32x128xf32>, vector<2000x128xf32> -> vector<2000x128xf32>
    %add3A = arith.addf %dot_general3A_5, %dot_general3A_13 : vector<2000x128xf32>
    %get3A_14 = arith.constant 0 : index
    %get3A_15 = arith.constant 0 : index
    %get3A_16 = vector.load %arg5[%get3A_14, %get3A_15] : memref<1x128xf32, #tpu.memory_space<vmem>>, vector<1x128xf32>
    %add3A_17 = vector.broadcast %get3A_16 : vector<1x128xf32> to vector<2000x128xf32>
    %add3A_18 = arith.addf %add3A, %add3A_17 : vector<2000x128xf32>
    %logistic3A = arith.negf %add3A_18 : vector<2000x128xf32>
    %logistic3A_19 = math.exp %logistic3A : vector<2000x128xf32>
    %logistic3A_20 = arith.constant 1.000000e+00 : f32
    %logistic3A_21 = vector.broadcast %logistic3A_20 : f32 to vector<2000x128xf32>
    %logistic3A_22 = arith.addf %logistic3A_21, %logistic3A_19 : vector<2000x128xf32>
    %logistic3A_23 = arith.divf %logistic3A_21, %logistic3A_22 : vector<2000x128xf32>
    %mul3A = arith.mulf %add3A_18, %logistic3A_23 : vector<2000x128xf32>
    %get3A_24 = arith.constant 0 : index
    %get3A_25 = arith.constant 0 : index
    %get3A_26 = vector.load %arg6[%get3A_24, %get3A_25] : memref<128x128xf32, #tpu.memory_space<vmem>>, vector<128x128xf32>
    %dot_general3A_27 = arith.constant dense<0.000000e+00> : vector<2000x128xf32>
    %dot_general3A_28 = tpu.matmul %mul3A, %get3A_26, %dot_general3A_27 {dimension_numbers = #tpu.dot_dimension_numbers<[1], [0], [0], [1], [0, 0, 1, 1], [], []>, transpose_lhs_hint = false} : vector<2000x128xf32>, vector<128x128xf32>, vector<2000x128xf32> -> vector<2000x128xf32>
    %get3A_29 = arith.constant 0 : index
    %get3A_30 = arith.constant 0 : index
    %get3A_31 = vector.load %arg7[%get3A_29, %get3A_30] : memref<1x128xf32, #tpu.memory_space<vmem>>, vector<1x128xf32>
    %add3A_32 = vector.broadcast %get3A_31 : vector<1x128xf32> to vector<2000x128xf32>
    %add3A_33 = arith.addf %dot_general3A_28, %add3A_32 : vector<2000x128xf32>
    %get3A_34 = arith.constant 0 : index
    %get3A_35 = arith.constant 0 : index
    %get3A_36 = vector.load %arg8[%get3A_34, %get3A_35] : memref<1x128xf32, #tpu.memory_space<vmem>>, vector<1x128xf32>
    %get3A_37 = arith.constant 0 : index
    %get3A_38 = arith.constant 0 : index
    %get3A_39 = vector.load %arg9[%get3A_37, %get3A_38] : memref<1x128xf32, #tpu.memory_space<vmem>>, vector<1x128xf32>
    %reduce_sum3A = arith.constant dense<0.000000e+00> : vector<2000xf32>
    %reduce_sum3A_40 = vector.multi_reduction <add>, %add3A_33, %reduce_sum3A [1] : vector<2000x128xf32> to vector<2000xf32>
    %broadcast_in_dim3A = vector.shape_cast %reduce_sum3A_40 : vector<2000xf32> to vector<2000x1xf32>
    %div3A = arith.constant 1.280000e+02 : f32
    %div3A_41 = vector.broadcast %div3A : f32 to vector<2000x1xf32>
    %div3A_42 = arith.divf %broadcast_in_dim3A, %div3A_41 : vector<2000x1xf32>
    %sub3A = vector.broadcast %div3A_42 : vector<2000x1xf32> to vector<2000x128xf32>
    %sub3A_43 = arith.subf %add3A_33, %sub3A : vector<2000x128xf32>
    %integer_pow3A = arith.mulf %sub3A_43, %sub3A_43 : vector<2000x128xf32>
    %reduce_sum3A_44 = arith.constant dense<0.000000e+00> : vector<2000xf32>
    %reduce_sum3A_45 = vector.multi_reduction <add>, %integer_pow3A, %reduce_sum3A_44 [1] : vector<2000x128xf32> to vector<2000xf32>
    %broadcast_in_dim3A_46 = vector.shape_cast %reduce_sum3A_45 : vector<2000xf32> to vector<2000x1xf32>
    %div3A_47 = arith.constant 1.280000e+02 : f32
    %div3A_48 = vector.broadcast %div3A_47 : f32 to vector<2000x1xf32>
    %div3A_49 = arith.divf %broadcast_in_dim3A_46, %div3A_48 : vector<2000x1xf32>
    %sub3A_50 = vector.broadcast %div3A_42 : vector<2000x1xf32> to vector<2000x128xf32>
    %sub3A_51 = arith.subf %add3A_33, %sub3A_50 : vector<2000x128xf32>
    %add3A_52 = arith.constant 9.99999974E-6 : f32
    %add3A_53 = vector.broadcast %add3A_52 : f32 to vector<2000x1xf32>
    %add3A_54 = arith.addf %div3A_49, %add3A_53 : vector<2000x1xf32>
    %rsqrt3A = math.rsqrt %add3A_54 : vector<2000x1xf32>
    %mul3A_55 = vector.broadcast %rsqrt3A : vector<2000x1xf32> to vector<2000x128xf32>
    %mul3A_56 = arith.mulf %sub3A_51, %mul3A_55 : vector<2000x128xf32>
    %mul3A_57 = vector.broadcast %get3A_36 : vector<1x128xf32> to vector<2000x128xf32>
    %mul3A_58 = arith.mulf %mul3A_56, %mul3A_57 : vector<2000x128xf32>
    %add3A_59 = vector.broadcast %get3A_39 : vector<1x128xf32> to vector<2000x128xf32>
    %add3A_60 = arith.addf %mul3A_58, %add3A_59 : vector<2000x128xf32>
    %swap3A = arith.constant 0 : index
    %swap3A_61 = arith.constant 0 : index
    %swap3A_62 = vector.load %arg17[%swap3A, %swap3A_61] : memref<2000x128xf32, #tpu.memory_space<vmem>>, vector<2000x128xf32>
    tpu.vector_store %arg17[%swap3A, %swap3A_61], %add3A_60 {strides = array<i32>} : memref<2000x128xf32, #tpu.memory_space<vmem>>, vector<2000x128xf32>,
    %get3A_63 = arith.constant 0 : index
    %get3A_64 = arith.constant 0 : index
    %get3A_65 = vector.load %arg10[%get3A_63, %get3A_64] : memref<128x128xf32, #tpu.memory_space<vmem>>, vector<128x128xf32>
    %dot_general3A_66 = arith.constant dense<0.000000e+00> : vector<2000x128xf32>
    %dot_general3A_67 = tpu.matmul %add3A_60, %get3A_65, %dot_general3A_66 {dimension_numbers = #tpu.dot_dimension_numbers<[1], [0], [0], [1], [0, 0, 1, 1], [], []>, transpose_lhs_hint = false} : vector<2000x128xf32>, vector<128x128xf32>, vector<2000x128xf32> -> vector<2000x128xf32>
    %swap3A_68 = arith.constant 0 : index
    %swap3A_69 = arith.constant 0 : index
    %swap3A_70 = vector.load %arg18[%swap3A_68, %swap3A_69] : memref<2000x128xf32, #tpu.memory_space<vmem>>, vector<2000x128xf32>
    tpu.vector_store %arg18[%swap3A_68, %swap3A_69], %dot_general3A_67 {strides = array<i32>} : memref<2000x128xf32, #tpu.memory_space<vmem>>, vector<2000x128xf32>,
    %get3A_71 = arith.constant 0 : index
    %get3A_72 = arith.constant 0 : index
    %get3A_73 = vector.load %arg11[%get3A_71, %get3A_72] : memref<128x128xf32, #tpu.memory_space<vmem>>, vector<128x128xf32>
    %dot_general3A_74 = arith.constant dense<0.000000e+00> : vector<2000x128xf32>
    %dot_general3A_75 = tpu.matmul %add3A_60, %get3A_73, %dot_general3A_74 {dimension_numbers = #tpu.dot_dimension_numbers<[1], [0], [0], [1], [0, 0, 1, 1], [], []>, transpose_lhs_hint = false} : vector<2000x128xf32>, vector<128x128xf32>, vector<2000x128xf32> -> vector<2000x128xf32>
    %get3A_76 = arith.constant 0 : index
    %get3A_77 = arith.constant 0 : index
    %get3A_78 = vector.load %arg12[%get3A_76, %get3A_77] : memref<1x128xf32, #tpu.memory_space<vmem>>, vector<1x128xf32>
    %add3A_79 = vector.broadcast %get3A_78 : vector<1x128xf32> to vector<2000x128xf32>
    %add3A_80 = arith.addf %dot_general3A_75, %add3A_79 : vector<2000x128xf32>
    %logistic3A_81 = arith.negf %add3A_80 : vector<2000x128xf32>
    %logistic3A_82 = math.exp %logistic3A_81 : vector<2000x128xf32>
    %logistic3A_83 = arith.constant 1.000000e+00 : f32
    %logistic3A_84 = vector.broadcast %logistic3A_83 : f32 to vector<2000x128xf32>
    %logistic3A_85 = arith.addf %logistic3A_84, %logistic3A_82 : vector<2000x128xf32>
    %logistic3A_86 = arith.divf %logistic3A_84, %logistic3A_85 : vector<2000x128xf32>
    %mul3A_87 = arith.mulf %add3A_80, %logistic3A_86 : vector<2000x128xf32>
    %get3A_88 = arith.constant 0 : index
    %get3A_89 = arith.constant 0 : index
    %get3A_90 = vector.load %arg13[%get3A_88, %get3A_89] : memref<128x128xf32, #tpu.memory_space<vmem>>, vector<128x128xf32>
    %dot_general3A_91 = arith.constant dense<0.000000e+00> : vector<2000x128xf32>
    %dot_general3A_92 = tpu.matmul %mul3A_87, %get3A_90, %dot_general3A_91 {dimension_numbers = #tpu.dot_dimension_numbers<[1], [0], [0], [1], [0, 0, 1, 1], [], []>, transpose_lhs_hint = false} : vector<2000x128xf32>, vector<128x128xf32>, vector<2000x128xf32> -> vector<2000x128xf32>
    %get3A_93 = arith.constant 0 : index
    %get3A_94 = arith.constant 0 : index
    %get3A_95 = vector.load %arg14[%get3A_93, %get3A_94] : memref<1x128xf32, #tpu.memory_space<vmem>>, vector<1x128xf32>
    %add3A_96 = vector.broadcast %get3A_95 : vector<1x128xf32> to vector<2000x128xf32>
    %add3A_97 = arith.addf %dot_general3A_92, %add3A_96 : vector<2000x128xf32>
    %get3A_98 = arith.constant 0 : index
    %get3A_99 = arith.constant 0 : index
    %get3A_100 = vector.load %arg15[%get3A_98, %get3A_99] : memref<1x128xf32, #tpu.memory_space<vmem>>, vector<1x128xf32>
    %get3A_101 = arith.constant 0 : index
    %get3A_102 = arith.constant 0 : index
    %get3A_103 = vector.load %arg16[%get3A_101, %get3A_102] : memref<1x128xf32, #tpu.memory_space<vmem>>, vector<1x128xf32>
    %reduce_sum3A_104 = arith.constant dense<0.000000e+00> : vector<2000xf32>
    %reduce_sum3A_105 = vector.multi_reduction <add>, %add3A_97, %reduce_sum3A_104 [1] : vector<2000x128xf32> to vector<2000xf32>
    %broadcast_in_dim3A_106 = vector.shape_cast %reduce_sum3A_105 : vector<2000xf32> to vector<2000x1xf32>
    %div3A_107 = arith.constant 1.280000e+02 : f32
    %div3A_108 = vector.broadcast %div3A_107 : f32 to vector<2000x1xf32>
    %div3A_109 = arith.divf %broadcast_in_dim3A_106, %div3A_108 : vector<2000x1xf32>
    %sub3A_110 = vector.broadcast %div3A_109 : vector<2000x1xf32> to vector<2000x128xf32>
    %sub3A_111 = arith.subf %add3A_97, %sub3A_110 : vector<2000x128xf32>
    %integer_pow3A_112 = arith.mulf %sub3A_111, %sub3A_111 : vector<2000x128xf32>
    %reduce_sum3A_113 = arith.constant dense<0.000000e+00> : vector<2000xf32>
    %reduce_sum3A_114 = vector.multi_reduction <add>, %integer_pow3A_112, %reduce_sum3A_113 [1] : vector<2000x128xf32> to vector<2000xf32>
    %broadcast_in_dim3A_115 = vector.shape_cast %reduce_sum3A_114 : vector<2000xf32> to vector<2000x1xf32>
    %div3A_116 = arith.constant 1.280000e+02 : f32
    %div3A_117 = vector.broadcast %div3A_116 : f32 to vector<2000x1xf32>
    %div3A_118 = arith.divf %broadcast_in_dim3A_115, %div3A_117 : vector<2000x1xf32>
    %sub3A_119 = vector.broadcast %div3A_109 : vector<2000x1xf32> to vector<2000x128xf32>
    %sub3A_120 = arith.subf %add3A_97, %sub3A_119 : vector<2000x128xf32>
    %add3A_121 = arith.constant 9.99999974E-6 : f32
    %add3A_122 = vector.broadcast %add3A_121 : f32 to vector<2000x1xf32>
    %add3A_123 = arith.addf %div3A_118, %add3A_122 : vector<2000x1xf32>
    %rsqrt3A_124 = math.rsqrt %add3A_123 : vector<2000x1xf32>
    %mul3A_125 = vector.broadcast %rsqrt3A_124 : vector<2000x1xf32> to vector<2000x128xf32>
    %mul3A_126 = arith.mulf %sub3A_120, %mul3A_125 : vector<2000x128xf32>
    %mul3A_127 = vector.broadcast %get3A_100 : vector<1x128xf32> to vector<2000x128xf32>
    %mul3A_128 = arith.mulf %mul3A_126, %mul3A_127 : vector<2000x128xf32>
    %add3A_129 = vector.broadcast %get3A_103 : vector<1x128xf32> to vector<2000x128xf32>
    %add3A_130 = arith.addf %mul3A_128, %add3A_129 : vector<2000x128xf32>
    %add3A_131 = arith.addf %add3A_130, %add3A_60 : vector<2000x128xf32>
    %swap3A_132 = arith.constant 0 : index
    %swap3A_133 = arith.constant 0 : index
    %swap3A_134 = vector.load %arg19[%swap3A_132, %swap3A_133] : memref<2000x128xf32, #tpu.memory_space<vmem>>, vector<2000x128xf32>
    tpu.vector_store %arg19[%swap3A_132, %swap3A_133], %add3A_131 {strides = array<i32>} : memref<2000x128xf32, #tpu.memory_space<vmem>>, vector<2000x128xf32>,
    return
  }
  func.func @transform_0(%arg0: i32) -> (i32, i32) {
    %c0_i32 = arith.constant 0 : i32
    %c0_i32_0 = arith.constant 0 : i32
    return %arg0, %c0_i32 : i32, i32
  }
  func.func @transform_1(%arg0: i32) -> (i32, i32) {
    %c0_i32 = arith.constant 0 : i32
    %c0_i32_0 = arith.constant 0 : i32
    return %arg0, %c0_i32 : i32, i32
  }
  func.func @transform_2(%arg0: i32) -> (i32, i32) {
    %c0_i32 = arith.constant 0 : i32
    %c0_i32_0 = arith.constant 0 : i32
    %c0_i32_1 = arith.constant 0 : i32
    return %c0_i32, %c0_i32_0 : i32, i32
  }
  func.func @transform_3(%arg0: i32) -> (i32, i32) {
    %c0_i32 = arith.constant 0 : i32
    %c0_i32_0 = arith.constant 0 : i32
    %c0_i32_1 = arith.constant 0 : i32
    return %c0_i32, %c0_i32_0 : i32, i32
  }
  func.func @transform_4(%arg0: i32) -> (i32, i32) {
    %c0_i32 = arith.constant 0 : i32
    %c0_i32_0 = arith.constant 0 : i32
    %c0_i32_1 = arith.constant 0 : i32
    return %c0_i32, %c0_i32_0 : i32, i32
  }
  func.func @transform_5(%arg0: i32) -> (i32, i32) {
    %c0_i32 = arith.constant 0 : i32
    %c0_i32_0 = arith.constant 0 : i32
    %c0_i32_1 = arith.constant 0 : i32
    return %c0_i32, %c0_i32_0 : i32, i32
  }
  func.func @transform_6(%arg0: i32) -> (i32, i32) {
    %c0_i32 = arith.constant 0 : i32
    %c0_i32_0 = arith.constant 0 : i32
    %c0_i32_1 = arith.constant 0 : i32
    return %c0_i32, %c0_i32_0 : i32, i32
  }
  func.func @transform_7(%arg0: i32) -> (i32, i32) {
    %c0_i32 = arith.constant 0 : i32
    %c0_i32_0 = arith.constant 0 : i32
    %c0_i32_1 = arith.constant 0 : i32
    return %c0_i32, %c0_i32_0 : i32, i32
  }
  func.func @transform_8(%arg0: i32) -> (i32, i32) {
    %c0_i32 = arith.constant 0 : i32
    %c0_i32_0 = arith.constant 0 : i32
    %c0_i32_1 = arith.constant 0 : i32
    return %c0_i32, %c0_i32_0 : i32, i32
  }
  func.func @transform_9(%arg0: i32) -> (i32, i32) {
    %c0_i32 = arith.constant 0 : i32
    %c0_i32_0 = arith.constant 0 : i32
    %c0_i32_1 = arith.constant 0 : i32
    return %c0_i32, %c0_i32_0 : i32, i32
  }
  func.func @transform_10(%arg0: i32) -> (i32, i32) {
    %c0_i32 = arith.constant 0 : i32
    %c0_i32_0 = arith.constant 0 : i32
    %c0_i32_1 = arith.constant 0 : i32
    return %c0_i32, %c0_i32_0 : i32, i32
  }
  func.func @transform_11(%arg0: i32) -> (i32, i32) {
    %c0_i32 = arith.constant 0 : i32
    %c0_i32_0 = arith.constant 0 : i32
    %c0_i32_1 = arith.constant 0 : i32
    return %c0_i32, %c0_i32_0 : i32, i32
  }
  func.func @transform_12(%arg0: i32) -> (i32, i32) {
    %c0_i32 = arith.constant 0 : i32
    %c0_i32_0 = arith.constant 0 : i32
    %c0_i32_1 = arith.constant 0 : i32
    return %c0_i32, %c0_i32_0 : i32, i32
  }
  func.func @transform_13(%arg0: i32) -> (i32, i32) {
    %c0_i32 = arith.constant 0 : i32
    %c0_i32_0 = arith.constant 0 : i32
    %c0_i32_1 = arith.constant 0 : i32
    return %c0_i32, %c0_i32_0 : i32, i32
  }
  func.func @transform_14(%arg0: i32) -> (i32, i32) {
    %c0_i32 = arith.constant 0 : i32
    %c0_i32_0 = arith.constant 0 : i32
    %c0_i32_1 = arith.constant 0 : i32
    return %c0_i32, %c0_i32_0 : i32, i32
  }
  func.func @transform_15(%arg0: i32) -> (i32, i32) {
    %c0_i32 = arith.constant 0 : i32
    %c0_i32_0 = arith.constant 0 : i32
    %c0_i32_1 = arith.constant 0 : i32
    return %c0_i32, %c0_i32_0 : i32, i32
  }
  func.func @transform_16(%arg0: i32) -> (i32, i32) {
    %c0_i32 = arith.constant 0 : i32
    %c0_i32_0 = arith.constant 0 : i32
    return %arg0, %c0_i32 : i32, i32
  }
  func.func @transform_17(%arg0: i32) -> (i32, i32) {
    %c0_i32 = arith.constant 0 : i32
    %c0_i32_0 = arith.constant 0 : i32
    return %arg0, %c0_i32 : i32, i32
  }
  func.func @transform_18(%arg0: i32) -> (i32, i32) {
    %c0_i32 = arith.constant 0 : i32
    %c0_i32_0 = arith.constant 0 : i32
    return %arg0, %c0_i32 : i32, i32
  }
}

module attributes {stable_mosaic.version = 14 : i64} {
  func.func @_embed_body(%arg0: i32, %arg1: memref<2000x4xf32, #tpu.memory_space<vmem>>, %arg2: memref<4x128xf32, #tpu.memory_space<vmem>>, %arg3: memref<1x128xf32, #tpu.memory_space<vmem>>, %arg4: memref<128x128xf32, #tpu.memory_space<vmem>>, %arg5: memref<1x128xf32, #tpu.memory_space<vmem>>, %arg6: memref<1x128xf32, #tpu.memory_space<vmem>>, %arg7: memref<1x128xf32, #tpu.memory_space<vmem>>, %arg8: memref<2000x128xf32, #tpu.memory_space<vmem>>) attributes {dimension_semantics = [#tpu.dimension_semantics<arbitrary>], iteration_bounds = array<i64: 160>, scalar_prefetch = 0 : i64, scratch_operands = 0 : i64, tpu.core_type = #tpu.core_type<tc>, window_params = [{transform_indices = @transform_0, window_bounds = array<i64: 2000, 4>}, {pipeline_mode = #tpu.pipeline_mode<synchronous>, transform_indices = @transform_1, window_bounds = array<i64: 4, 128>}, {pipeline_mode = #tpu.pipeline_mode<synchronous>, transform_indices = @transform_2, window_bounds = array<i64: 1, 128>}, {pipeline_mode = #tpu.pipeline_mode<synchronous>, transform_indices = @transform_3, window_bounds = array<i64: 128, 128>}, {pipeline_mode = #tpu.pipeline_mode<synchronous>, transform_indices = @transform_4, window_bounds = array<i64: 1, 128>}, {pipeline_mode = #tpu.pipeline_mode<synchronous>, transform_indices = @transform_5, window_bounds = array<i64: 1, 128>}, {pipeline_mode = #tpu.pipeline_mode<synchronous>, transform_indices = @transform_6, window_bounds = array<i64: 1, 128>}, {transform_indices = @transform_7, window_bounds = array<i64: 2000, 128>}]} {
    %get3A = arith.constant 0 : index
    %get3A_0 = arith.constant 0 : index
    %get3A_1 = vector.load %arg1[%get3A, %get3A_0] : memref<2000x4xf32, #tpu.memory_space<vmem>>, vector<2000x4xf32>
    %get3A_2 = arith.constant 0 : index
    %get3A_3 = arith.constant 0 : index
    %get3A_4 = vector.load %arg2[%get3A_2, %get3A_3] : memref<4x128xf32, #tpu.memory_space<vmem>>, vector<4x128xf32>
    %dot_general3A = arith.constant dense<0.000000e+00> : vector<2000x128xf32>
    %dot_general3A_5 = tpu.matmul %get3A_1, %get3A_4, %dot_general3A {dimension_numbers = #tpu.dot_dimension_numbers<[1], [0], [0], [1], [0, 0, 1, 1], [], []>, transpose_lhs_hint = false} : vector<2000x4xf32>, vector<4x128xf32>, vector<2000x128xf32> -> vector<2000x128xf32>
    %get3A_6 = arith.constant 0 : index
    %get3A_7 = arith.constant 0 : index
    %get3A_8 = vector.load %arg3[%get3A_6, %get3A_7] : memref<1x128xf32, #tpu.memory_space<vmem>>, vector<1x128xf32>
    %add3A = vector.broadcast %get3A_8 : vector<1x128xf32> to vector<2000x128xf32>
    %add3A_9 = arith.addf %dot_general3A_5, %add3A : vector<2000x128xf32>
    %logistic3A = arith.negf %add3A_9 : vector<2000x128xf32>
    %logistic3A_10 = math.exp %logistic3A : vector<2000x128xf32>
    %logistic3A_11 = arith.constant 1.000000e+00 : f32
    %logistic3A_12 = vector.broadcast %logistic3A_11 : f32 to vector<2000x128xf32>
    %logistic3A_13 = arith.addf %logistic3A_12, %logistic3A_10 : vector<2000x128xf32>
    %logistic3A_14 = arith.divf %logistic3A_12, %logistic3A_13 : vector<2000x128xf32>
    %mul3A = arith.mulf %add3A_9, %logistic3A_14 : vector<2000x128xf32>
    %get3A_15 = arith.constant 0 : index
    %get3A_16 = arith.constant 0 : index
    %get3A_17 = vector.load %arg4[%get3A_15, %get3A_16] : memref<128x128xf32, #tpu.memory_space<vmem>>, vector<128x128xf32>
    %dot_general3A_18 = arith.constant dense<0.000000e+00> : vector<2000x128xf32>
    %dot_general3A_19 = tpu.matmul %mul3A, %get3A_17, %dot_general3A_18 {dimension_numbers = #tpu.dot_dimension_numbers<[1], [0], [0], [1], [0, 0, 1, 1], [], []>, transpose_lhs_hint = false} : vector<2000x128xf32>, vector<128x128xf32>, vector<2000x128xf32> -> vector<2000x128xf32>
    %get3A_20 = arith.constant 0 : index
    %get3A_21 = arith.constant 0 : index
    %get3A_22 = vector.load %arg5[%get3A_20, %get3A_21] : memref<1x128xf32, #tpu.memory_space<vmem>>, vector<1x128xf32>
    %add3A_23 = vector.broadcast %get3A_22 : vector<1x128xf32> to vector<2000x128xf32>
    %add3A_24 = arith.addf %dot_general3A_19, %add3A_23 : vector<2000x128xf32>
    %get3A_25 = arith.constant 0 : index
    %get3A_26 = arith.constant 0 : index
    %get3A_27 = vector.load %arg6[%get3A_25, %get3A_26] : memref<1x128xf32, #tpu.memory_space<vmem>>, vector<1x128xf32>
    %get3A_28 = arith.constant 0 : index
    %get3A_29 = arith.constant 0 : index
    %get3A_30 = vector.load %arg7[%get3A_28, %get3A_29] : memref<1x128xf32, #tpu.memory_space<vmem>>, vector<1x128xf32>
    %reduce_sum3A = arith.constant dense<0.000000e+00> : vector<2000xf32>
    %reduce_sum3A_31 = vector.multi_reduction <add>, %add3A_24, %reduce_sum3A [1] : vector<2000x128xf32> to vector<2000xf32>
    %broadcast_in_dim3A = vector.shape_cast %reduce_sum3A_31 : vector<2000xf32> to vector<2000x1xf32>
    %div3A = arith.constant 1.280000e+02 : f32
    %div3A_32 = vector.broadcast %div3A : f32 to vector<2000x1xf32>
    %div3A_33 = arith.divf %broadcast_in_dim3A, %div3A_32 : vector<2000x1xf32>
    %sub3A = vector.broadcast %div3A_33 : vector<2000x1xf32> to vector<2000x128xf32>
    %sub3A_34 = arith.subf %add3A_24, %sub3A : vector<2000x128xf32>
    %integer_pow3A = arith.mulf %sub3A_34, %sub3A_34 : vector<2000x128xf32>
    %reduce_sum3A_35 = arith.constant dense<0.000000e+00> : vector<2000xf32>
    %reduce_sum3A_36 = vector.multi_reduction <add>, %integer_pow3A, %reduce_sum3A_35 [1] : vector<2000x128xf32> to vector<2000xf32>
    %broadcast_in_dim3A_37 = vector.shape_cast %reduce_sum3A_36 : vector<2000xf32> to vector<2000x1xf32>
    %div3A_38 = arith.constant 1.280000e+02 : f32
    %div3A_39 = vector.broadcast %div3A_38 : f32 to vector<2000x1xf32>
    %div3A_40 = arith.divf %broadcast_in_dim3A_37, %div3A_39 : vector<2000x1xf32>
    %sub3A_41 = vector.broadcast %div3A_33 : vector<2000x1xf32> to vector<2000x128xf32>
    %sub3A_42 = arith.subf %add3A_24, %sub3A_41 : vector<2000x128xf32>
    %add3A_43 = arith.constant 9.99999974E-6 : f32
    %add3A_44 = vector.broadcast %add3A_43 : f32 to vector<2000x1xf32>
    %add3A_45 = arith.addf %div3A_40, %add3A_44 : vector<2000x1xf32>
    %rsqrt3A = math.rsqrt %add3A_45 : vector<2000x1xf32>
    %mul3A_46 = vector.broadcast %rsqrt3A : vector<2000x1xf32> to vector<2000x128xf32>
    %mul3A_47 = arith.mulf %sub3A_42, %mul3A_46 : vector<2000x128xf32>
    %mul3A_48 = vector.broadcast %get3A_27 : vector<1x128xf32> to vector<2000x128xf32>
    %mul3A_49 = arith.mulf %mul3A_47, %mul3A_48 : vector<2000x128xf32>
    %add3A_50 = vector.broadcast %get3A_30 : vector<1x128xf32> to vector<2000x128xf32>
    %add3A_51 = arith.addf %mul3A_49, %add3A_50 : vector<2000x128xf32>
    %swap3A = arith.constant 0 : index
    %swap3A_52 = arith.constant 0 : index
    %swap3A_53 = vector.load %arg8[%swap3A, %swap3A_52] : memref<2000x128xf32, #tpu.memory_space<vmem>>, vector<2000x128xf32>
    tpu.vector_store %arg8[%swap3A, %swap3A_52], %add3A_51 {strides = array<i32>} : memref<2000x128xf32, #tpu.memory_space<vmem>>, vector<2000x128xf32>,
    return
  }
  func.func @transform_0(%arg0: i32) -> (i32, i32) {
    %c0_i32 = arith.constant 0 : i32
    %c0_i32_0 = arith.constant 0 : i32
    return %arg0, %c0_i32 : i32, i32
  }
  func.func @transform_1(%arg0: i32) -> (i32, i32) {
    %c0_i32 = arith.constant 0 : i32
    %c0_i32_0 = arith.constant 0 : i32
    %c0_i32_1 = arith.constant 0 : i32
    return %c0_i32, %c0_i32_0 : i32, i32
  }
  func.func @transform_2(%arg0: i32) -> (i32, i32) {
    %c0_i32 = arith.constant 0 : i32
    %c0_i32_0 = arith.constant 0 : i32
    %c0_i32_1 = arith.constant 0 : i32
    return %c0_i32, %c0_i32_0 : i32, i32
  }
  func.func @transform_3(%arg0: i32) -> (i32, i32) {
    %c0_i32 = arith.constant 0 : i32
    %c0_i32_0 = arith.constant 0 : i32
    %c0_i32_1 = arith.constant 0 : i32
    return %c0_i32, %c0_i32_0 : i32, i32
  }
  func.func @transform_4(%arg0: i32) -> (i32, i32) {
    %c0_i32 = arith.constant 0 : i32
    %c0_i32_0 = arith.constant 0 : i32
    %c0_i32_1 = arith.constant 0 : i32
    return %c0_i32, %c0_i32_0 : i32, i32
  }
  func.func @transform_5(%arg0: i32) -> (i32, i32) {
    %c0_i32 = arith.constant 0 : i32
    %c0_i32_0 = arith.constant 0 : i32
    %c0_i32_1 = arith.constant 0 : i32
    return %c0_i32, %c0_i32_0 : i32, i32
  }
  func.func @transform_6(%arg0: i32) -> (i32, i32) {
    %c0_i32 = arith.constant 0 : i32
    %c0_i32_0 = arith.constant 0 : i32
    %c0_i32_1 = arith.constant 0 : i32
    return %c0_i32, %c0_i32_0 : i32, i32
  }
  func.func @transform_7(%arg0: i32) -> (i32, i32) {
    %c0_i32 = arith.constant 0 : i32
    %c0_i32_0 = arith.constant 0 : i32
    return %arg0, %c0_i32 : i32, i32
  }
}

module attributes {stable_mosaic.version = 14 : i64} {
  func.func @_edge_mlp_body(%arg0: i32, %arg1: memref<2000x128xf32, #tpu.memory_space<vmem>>, %arg2: memref<2000x128xf32, #tpu.memory_space<vmem>>, %arg3: memref<2000x128xf32, #tpu.memory_space<vmem>>, %arg4: memref<128x128xf32, #tpu.memory_space<vmem>>, %arg5: memref<128x128xf32, #tpu.memory_space<vmem>>, %arg6: memref<1x128xf32, #tpu.memory_space<vmem>>, %arg7: memref<1x128xf32, #tpu.memory_space<vmem>>, %arg8: memref<1x128xf32, #tpu.memory_space<vmem>>, %arg9: memref<2000x128xf32, #tpu.memory_space<vmem>>) attributes {dimension_semantics = [#tpu.dimension_semantics<arbitrary>], iteration_bounds = array<i64: 160>, scalar_prefetch = 0 : i64, scratch_operands = 0 : i64, tpu.core_type = #tpu.core_type<tc>, window_params = [{transform_indices = @transform_0, window_bounds = array<i64: 2000, 128>}, {transform_indices = @transform_1, window_bounds = array<i64: 2000, 128>}, {transform_indices = @transform_2, window_bounds = array<i64: 2000, 128>}, {pipeline_mode = #tpu.pipeline_mode<synchronous>, transform_indices = @transform_3, window_bounds = array<i64: 128, 128>}, {pipeline_mode = #tpu.pipeline_mode<synchronous>, transform_indices = @transform_4, window_bounds = array<i64: 128, 128>}, {pipeline_mode = #tpu.pipeline_mode<synchronous>, transform_indices = @transform_5, window_bounds = array<i64: 1, 128>}, {pipeline_mode = #tpu.pipeline_mode<synchronous>, transform_indices = @transform_6, window_bounds = array<i64: 1, 128>}, {pipeline_mode = #tpu.pipeline_mode<synchronous>, transform_indices = @transform_7, window_bounds = array<i64: 1, 128>}, {transform_indices = @transform_8, window_bounds = array<i64: 2000, 128>}]} {
    %get3A = arith.constant 0 : index
    %get3A_0 = arith.constant 0 : index
    %get3A_1 = vector.load %arg1[%get3A, %get3A_0] : memref<2000x128xf32, #tpu.memory_space<vmem>>, vector<2000x128xf32>
    %get3A_2 = arith.constant 0 : index
    %get3A_3 = arith.constant 0 : index
    %get3A_4 = vector.load %arg4[%get3A_2, %get3A_3] : memref<128x128xf32, #tpu.memory_space<vmem>>, vector<128x128xf32>
    %dot_general3A = arith.constant dense<0.000000e+00> : vector<2000x128xf32>
    %dot_general3A_5 = tpu.matmul %get3A_1, %get3A_4, %dot_general3A {dimension_numbers = #tpu.dot_dimension_numbers<[1], [0], [0], [1], [0, 0, 1, 1], [], []>, transpose_lhs_hint = false} : vector<2000x128xf32>, vector<128x128xf32>, vector<2000x128xf32> -> vector<2000x128xf32>
    %get3A_6 = arith.constant 0 : index
    %get3A_7 = arith.constant 0 : index
    %get3A_8 = vector.load %arg2[%get3A_6, %get3A_7] : memref<2000x128xf32, #tpu.memory_space<vmem>>, vector<2000x128xf32>
    %add3A = arith.addf %dot_general3A_5, %get3A_8 : vector<2000x128xf32>
    %get3A_9 = arith.constant 0 : index
    %get3A_10 = arith.constant 0 : index
    %get3A_11 = vector.load %arg3[%get3A_9, %get3A_10] : memref<2000x128xf32, #tpu.memory_space<vmem>>, vector<2000x128xf32>
    %add3A_12 = arith.addf %add3A, %get3A_11 : vector<2000x128xf32>
    %logistic3A = arith.negf %add3A_12 : vector<2000x128xf32>
    %logistic3A_13 = math.exp %logistic3A : vector<2000x128xf32>
    %logistic3A_14 = arith.constant 1.000000e+00 : f32
    %logistic3A_15 = vector.broadcast %logistic3A_14 : f32 to vector<2000x128xf32>
    %logistic3A_16 = arith.addf %logistic3A_15, %logistic3A_13 : vector<2000x128xf32>
    %logistic3A_17 = arith.divf %logistic3A_15, %logistic3A_16 : vector<2000x128xf32>
    %mul3A = arith.mulf %add3A_12, %logistic3A_17 : vector<2000x128xf32>
    %get3A_18 = arith.constant 0 : index
    %get3A_19 = arith.constant 0 : index
    %get3A_20 = vector.load %arg5[%get3A_18, %get3A_19] : memref<128x128xf32, #tpu.memory_space<vmem>>, vector<128x128xf32>
    %dot_general3A_21 = arith.constant dense<0.000000e+00> : vector<2000x128xf32>
    %dot_general3A_22 = tpu.matmul %mul3A, %get3A_20, %dot_general3A_21 {dimension_numbers = #tpu.dot_dimension_numbers<[1], [0], [0], [1], [0, 0, 1, 1], [], []>, transpose_lhs_hint = false} : vector<2000x128xf32>, vector<128x128xf32>, vector<2000x128xf32> -> vector<2000x128xf32>
    %get3A_23 = arith.constant 0 : index
    %get3A_24 = arith.constant 0 : index
    %get3A_25 = vector.load %arg6[%get3A_23, %get3A_24] : memref<1x128xf32, #tpu.memory_space<vmem>>, vector<1x128xf32>
    %add3A_26 = vector.broadcast %get3A_25 : vector<1x128xf32> to vector<2000x128xf32>
    %add3A_27 = arith.addf %dot_general3A_22, %add3A_26 : vector<2000x128xf32>
    %get3A_28 = arith.constant 0 : index
    %get3A_29 = arith.constant 0 : index
    %get3A_30 = vector.load %arg7[%get3A_28, %get3A_29] : memref<1x128xf32, #tpu.memory_space<vmem>>, vector<1x128xf32>
    %get3A_31 = arith.constant 0 : index
    %get3A_32 = arith.constant 0 : index
    %get3A_33 = vector.load %arg8[%get3A_31, %get3A_32] : memref<1x128xf32, #tpu.memory_space<vmem>>, vector<1x128xf32>
    %reduce_sum3A = arith.constant dense<0.000000e+00> : vector<2000xf32>
    %reduce_sum3A_34 = vector.multi_reduction <add>, %add3A_27, %reduce_sum3A [1] : vector<2000x128xf32> to vector<2000xf32>
    %broadcast_in_dim3A = vector.shape_cast %reduce_sum3A_34 : vector<2000xf32> to vector<2000x1xf32>
    %div3A = arith.constant 1.280000e+02 : f32
    %div3A_35 = vector.broadcast %div3A : f32 to vector<2000x1xf32>
    %div3A_36 = arith.divf %broadcast_in_dim3A, %div3A_35 : vector<2000x1xf32>
    %sub3A = vector.broadcast %div3A_36 : vector<2000x1xf32> to vector<2000x128xf32>
    %sub3A_37 = arith.subf %add3A_27, %sub3A : vector<2000x128xf32>
    %integer_pow3A = arith.mulf %sub3A_37, %sub3A_37 : vector<2000x128xf32>
    %reduce_sum3A_38 = arith.constant dense<0.000000e+00> : vector<2000xf32>
    %reduce_sum3A_39 = vector.multi_reduction <add>, %integer_pow3A, %reduce_sum3A_38 [1] : vector<2000x128xf32> to vector<2000xf32>
    %broadcast_in_dim3A_40 = vector.shape_cast %reduce_sum3A_39 : vector<2000xf32> to vector<2000x1xf32>
    %div3A_41 = arith.constant 1.280000e+02 : f32
    %div3A_42 = vector.broadcast %div3A_41 : f32 to vector<2000x1xf32>
    %div3A_43 = arith.divf %broadcast_in_dim3A_40, %div3A_42 : vector<2000x1xf32>
    %sub3A_44 = vector.broadcast %div3A_36 : vector<2000x1xf32> to vector<2000x128xf32>
    %sub3A_45 = arith.subf %add3A_27, %sub3A_44 : vector<2000x128xf32>
    %add3A_46 = arith.constant 9.99999974E-6 : f32
    %add3A_47 = vector.broadcast %add3A_46 : f32 to vector<2000x1xf32>
    %add3A_48 = arith.addf %div3A_43, %add3A_47 : vector<2000x1xf32>
    %rsqrt3A = math.rsqrt %add3A_48 : vector<2000x1xf32>
    %mul3A_49 = vector.broadcast %rsqrt3A : vector<2000x1xf32> to vector<2000x128xf32>
    %mul3A_50 = arith.mulf %sub3A_45, %mul3A_49 : vector<2000x128xf32>
    %mul3A_51 = vector.broadcast %get3A_30 : vector<1x128xf32> to vector<2000x128xf32>
    %mul3A_52 = arith.mulf %mul3A_50, %mul3A_51 : vector<2000x128xf32>
    %add3A_53 = vector.broadcast %get3A_33 : vector<1x128xf32> to vector<2000x128xf32>
    %add3A_54 = arith.addf %mul3A_52, %add3A_53 : vector<2000x128xf32>
    %get3A_55 = arith.constant 0 : index
    %get3A_56 = arith.constant 0 : index
    %get3A_57 = vector.load %arg1[%get3A_55, %get3A_56] : memref<2000x128xf32, #tpu.memory_space<vmem>>, vector<2000x128xf32>
    %add3A_58 = arith.addf %get3A_57, %add3A_54 : vector<2000x128xf32>
    %swap3A = arith.constant 0 : index
    %swap3A_59 = arith.constant 0 : index
    %swap3A_60 = vector.load %arg9[%swap3A, %swap3A_59] : memref<2000x128xf32, #tpu.memory_space<vmem>>, vector<2000x128xf32>
    tpu.vector_store %arg9[%swap3A, %swap3A_59], %add3A_58 {strides = array<i32>} : memref<2000x128xf32, #tpu.memory_space<vmem>>, vector<2000x128xf32>,
    return
  }
  func.func @transform_0(%arg0: i32) -> (i32, i32) {
    %c0_i32 = arith.constant 0 : i32
    %c0_i32_0 = arith.constant 0 : i32
    return %arg0, %c0_i32 : i32, i32
  }
  func.func @transform_1(%arg0: i32) -> (i32, i32) {
    %c0_i32 = arith.constant 0 : i32
    %c0_i32_0 = arith.constant 0 : i32
    return %arg0, %c0_i32 : i32, i32
  }
  func.func @transform_2(%arg0: i32) -> (i32, i32) {
    %c0_i32 = arith.constant 0 : i32
    %c0_i32_0 = arith.constant 0 : i32
    return %arg0, %c0_i32 : i32, i32
  }
  func.func @transform_3(%arg0: i32) -> (i32, i32) {
    %c0_i32 = arith.constant 0 : i32
    %c0_i32_0 = arith.constant 0 : i32
    %c0_i32_1 = arith.constant 0 : i32
    return %c0_i32, %c0_i32_0 : i32, i32
  }
  func.func @transform_4(%arg0: i32) -> (i32, i32) {
    %c0_i32 = arith.constant 0 : i32
    %c0_i32_0 = arith.constant 0 : i32
    %c0_i32_1 = arith.constant 0 : i32
    return %c0_i32, %c0_i32_0 : i32, i32
  }
  func.func @transform_5(%arg0: i32) -> (i32, i32) {
    %c0_i32 = arith.constant 0 : i32
    %c0_i32_0 = arith.constant 0 : i32
    %c0_i32_1 = arith.constant 0 : i32
    return %c0_i32, %c0_i32_0 : i32, i32
  }
  func.func @transform_6(%arg0: i32) -> (i32, i32) {
    %c0_i32 = arith.constant 0 : i32
    %c0_i32_0 = arith.constant 0 : i32
    %c0_i32_1 = arith.constant 0 : i32
    return %c0_i32, %c0_i32_0 : i32, i32
  }
  func.func @transform_7(%arg0: i32) -> (i32, i32) {
    %c0_i32 = arith.constant 0 : i32
    %c0_i32_0 = arith.constant 0 : i32
    %c0_i32_1 = arith.constant 0 : i32
    return %c0_i32, %c0_i32_0 : i32, i32
  }
  func.func @transform_8(%arg0: i32) -> (i32, i32) {
    %c0_i32 = arith.constant 0 : i32
    %c0_i32_0 = arith.constant 0 : i32
    return %arg0, %c0_i32 : i32, i32
  }
}

module attributes {stable_mosaic.version = 14 : i64} {
  func.func @_node_mlp_body(%arg0: i32, %arg1: memref<2000x128xf32, #tpu.memory_space<vmem>>, %arg2: memref<2000x128xf32, #tpu.memory_space<vmem>>, %arg3: memref<2000x128xf32, #tpu.memory_space<vmem>>, %arg4: memref<128x128xf32, #tpu.memory_space<vmem>>, %arg5: memref<128x128xf32, #tpu.memory_space<vmem>>, %arg6: memref<1x128xf32, #tpu.memory_space<vmem>>, %arg7: memref<128x128xf32, #tpu.memory_space<vmem>>, %arg8: memref<1x128xf32, #tpu.memory_space<vmem>>, %arg9: memref<1x128xf32, #tpu.memory_space<vmem>>, %arg10: memref<1x128xf32, #tpu.memory_space<vmem>>, %arg11: memref<2000x128xf32, #tpu.memory_space<vmem>>) attributes {dimension_semantics = [#tpu.dimension_semantics<arbitrary>], iteration_bounds = array<i64: 5>, scalar_prefetch = 0 : i64, scratch_operands = 0 : i64, tpu.core_type = #tpu.core_type<tc>, window_params = [{transform_indices = @transform_0, window_bounds = array<i64: 2000, 128>}, {transform_indices = @transform_1, window_bounds = array<i64: 2000, 128>}, {transform_indices = @transform_2, window_bounds = array<i64: 2000, 128>}, {pipeline_mode = #tpu.pipeline_mode<synchronous>, transform_indices = @transform_3, window_bounds = array<i64: 128, 128>}, {pipeline_mode = #tpu.pipeline_mode<synchronous>, transform_indices = @transform_4, window_bounds = array<i64: 128, 128>}, {pipeline_mode = #tpu.pipeline_mode<synchronous>, transform_indices = @transform_5, window_bounds = array<i64: 1, 128>}, {pipeline_mode = #tpu.pipeline_mode<synchronous>, transform_indices = @transform_6, window_bounds = array<i64: 128, 128>}, {pipeline_mode = #tpu.pipeline_mode<synchronous>, transform_indices = @transform_7, window_bounds = array<i64: 1, 128>}, {pipeline_mode = #tpu.pipeline_mode<synchronous>, transform_indices = @transform_8, window_bounds = array<i64: 1, 128>}, {pipeline_mode = #tpu.pipeline_mode<synchronous>, transform_indices = @transform_9, window_bounds = array<i64: 1, 128>}, {transform_indices = @transform_10, window_bounds = array<i64: 2000, 128>}]} {
    %get3A = arith.constant 0 : index
    %get3A_0 = arith.constant 0 : index
    %get3A_1 = vector.load %arg2[%get3A, %get3A_0] : memref<2000x128xf32, #tpu.memory_space<vmem>>, vector<2000x128xf32>
    %get3A_2 = arith.constant 0 : index
    %get3A_3 = arith.constant 0 : index
    %get3A_4 = vector.load %arg3[%get3A_2, %get3A_3] : memref<2000x128xf32, #tpu.memory_space<vmem>>, vector<2000x128xf32>
    %add3A = arith.addf %get3A_1, %get3A_4 : vector<2000x128xf32>
    %get3A_5 = arith.constant 0 : index
    %get3A_6 = arith.constant 0 : index
    %get3A_7 = vector.load %arg1[%get3A_5, %get3A_6] : memref<2000x128xf32, #tpu.memory_space<vmem>>, vector<2000x128xf32>
    %get3A_8 = arith.constant 0 : index
    %get3A_9 = arith.constant 0 : index
    %get3A_10 = vector.load %arg4[%get3A_8, %get3A_9] : memref<128x128xf32, #tpu.memory_space<vmem>>, vector<128x128xf32>
    %dot_general3A = arith.constant dense<0.000000e+00> : vector<2000x128xf32>
    %dot_general3A_11 = tpu.matmul %get3A_7, %get3A_10, %dot_general3A {dimension_numbers = #tpu.dot_dimension_numbers<[1], [0], [0], [1], [0, 0, 1, 1], [], []>, transpose_lhs_hint = false} : vector<2000x128xf32>, vector<128x128xf32>, vector<2000x128xf32> -> vector<2000x128xf32>
    %get3A_12 = arith.constant 0 : index
    %get3A_13 = arith.constant 0 : index
    %get3A_14 = vector.load %arg5[%get3A_12, %get3A_13] : memref<128x128xf32, #tpu.memory_space<vmem>>, vector<128x128xf32>
    %dot_general3A_15 = arith.constant dense<0.000000e+00> : vector<2000x128xf32>
    %dot_general3A_16 = tpu.matmul %add3A, %get3A_14, %dot_general3A_15 {dimension_numbers = #tpu.dot_dimension_numbers<[1], [0], [0], [1], [0, 0, 1, 1], [], []>, transpose_lhs_hint = false} : vector<2000x128xf32>, vector<128x128xf32>, vector<2000x128xf32> -> vector<2000x128xf32>
    %add3A_17 = arith.addf %dot_general3A_11, %dot_general3A_16 : vector<2000x128xf32>
    %get3A_18 = arith.constant 0 : index
    %get3A_19 = arith.constant 0 : index
    %get3A_20 = vector.load %arg6[%get3A_18, %get3A_19] : memref<1x128xf32, #tpu.memory_space<vmem>>, vector<1x128xf32>
    %add3A_21 = vector.broadcast %get3A_20 : vector<1x128xf32> to vector<2000x128xf32>
    %add3A_22 = arith.addf %add3A_17, %add3A_21 : vector<2000x128xf32>
    %logistic3A = arith.negf %add3A_22 : vector<2000x128xf32>
    %logistic3A_23 = math.exp %logistic3A : vector<2000x128xf32>
    %logistic3A_24 = arith.constant 1.000000e+00 : f32
    %logistic3A_25 = vector.broadcast %logistic3A_24 : f32 to vector<2000x128xf32>
    %logistic3A_26 = arith.addf %logistic3A_25, %logistic3A_23 : vector<2000x128xf32>
    %logistic3A_27 = arith.divf %logistic3A_25, %logistic3A_26 : vector<2000x128xf32>
    %mul3A = arith.mulf %add3A_22, %logistic3A_27 : vector<2000x128xf32>
    %get3A_28 = arith.constant 0 : index
    %get3A_29 = arith.constant 0 : index
    %get3A_30 = vector.load %arg7[%get3A_28, %get3A_29] : memref<128x128xf32, #tpu.memory_space<vmem>>, vector<128x128xf32>
    %dot_general3A_31 = arith.constant dense<0.000000e+00> : vector<2000x128xf32>
    %dot_general3A_32 = tpu.matmul %mul3A, %get3A_30, %dot_general3A_31 {dimension_numbers = #tpu.dot_dimension_numbers<[1], [0], [0], [1], [0, 0, 1, 1], [], []>, transpose_lhs_hint = false} : vector<2000x128xf32>, vector<128x128xf32>, vector<2000x128xf32> -> vector<2000x128xf32>
    %get3A_33 = arith.constant 0 : index
    %get3A_34 = arith.constant 0 : index
    %get3A_35 = vector.load %arg8[%get3A_33, %get3A_34] : memref<1x128xf32, #tpu.memory_space<vmem>>, vector<1x128xf32>
    %add3A_36 = vector.broadcast %get3A_35 : vector<1x128xf32> to vector<2000x128xf32>
    %add3A_37 = arith.addf %dot_general3A_32, %add3A_36 : vector<2000x128xf32>
    %get3A_38 = arith.constant 0 : index
    %get3A_39 = arith.constant 0 : index
    %get3A_40 = vector.load %arg9[%get3A_38, %get3A_39] : memref<1x128xf32, #tpu.memory_space<vmem>>, vector<1x128xf32>
    %get3A_41 = arith.constant 0 : index
    %get3A_42 = arith.constant 0 : index
    %get3A_43 = vector.load %arg10[%get3A_41, %get3A_42] : memref<1x128xf32, #tpu.memory_space<vmem>>, vector<1x128xf32>
    %reduce_sum3A = arith.constant dense<0.000000e+00> : vector<2000xf32>
    %reduce_sum3A_44 = vector.multi_reduction <add>, %add3A_37, %reduce_sum3A [1] : vector<2000x128xf32> to vector<2000xf32>
    %broadcast_in_dim3A = vector.shape_cast %reduce_sum3A_44 : vector<2000xf32> to vector<2000x1xf32>
    %div3A = arith.constant 1.280000e+02 : f32
    %div3A_45 = vector.broadcast %div3A : f32 to vector<2000x1xf32>
    %div3A_46 = arith.divf %broadcast_in_dim3A, %div3A_45 : vector<2000x1xf32>
    %sub3A = vector.broadcast %div3A_46 : vector<2000x1xf32> to vector<2000x128xf32>
    %sub3A_47 = arith.subf %add3A_37, %sub3A : vector<2000x128xf32>
    %integer_pow3A = arith.mulf %sub3A_47, %sub3A_47 : vector<2000x128xf32>
    %reduce_sum3A_48 = arith.constant dense<0.000000e+00> : vector<2000xf32>
    %reduce_sum3A_49 = vector.multi_reduction <add>, %integer_pow3A, %reduce_sum3A_48 [1] : vector<2000x128xf32> to vector<2000xf32>
    %broadcast_in_dim3A_50 = vector.shape_cast %reduce_sum3A_49 : vector<2000xf32> to vector<2000x1xf32>
    %div3A_51 = arith.constant 1.280000e+02 : f32
    %div3A_52 = vector.broadcast %div3A_51 : f32 to vector<2000x1xf32>
    %div3A_53 = arith.divf %broadcast_in_dim3A_50, %div3A_52 : vector<2000x1xf32>
    %sub3A_54 = vector.broadcast %div3A_46 : vector<2000x1xf32> to vector<2000x128xf32>
    %sub3A_55 = arith.subf %add3A_37, %sub3A_54 : vector<2000x128xf32>
    %add3A_56 = arith.constant 9.99999974E-6 : f32
    %add3A_57 = vector.broadcast %add3A_56 : f32 to vector<2000x1xf32>
    %add3A_58 = arith.addf %div3A_53, %add3A_57 : vector<2000x1xf32>
    %rsqrt3A = math.rsqrt %add3A_58 : vector<2000x1xf32>
    %mul3A_59 = vector.broadcast %rsqrt3A : vector<2000x1xf32> to vector<2000x128xf32>
    %mul3A_60 = arith.mulf %sub3A_55, %mul3A_59 : vector<2000x128xf32>
    %mul3A_61 = vector.broadcast %get3A_40 : vector<1x128xf32> to vector<2000x128xf32>
    %mul3A_62 = arith.mulf %mul3A_60, %mul3A_61 : vector<2000x128xf32>
    %add3A_63 = vector.broadcast %get3A_43 : vector<1x128xf32> to vector<2000x128xf32>
    %add3A_64 = arith.addf %mul3A_62, %add3A_63 : vector<2000x128xf32>
    %get3A_65 = arith.constant 0 : index
    %get3A_66 = arith.constant 0 : index
    %get3A_67 = vector.load %arg1[%get3A_65, %get3A_66] : memref<2000x128xf32, #tpu.memory_space<vmem>>, vector<2000x128xf32>
    %add3A_68 = arith.addf %get3A_67, %add3A_64 : vector<2000x128xf32>
    %swap3A = arith.constant 0 : index
    %swap3A_69 = arith.constant 0 : index
    %swap3A_70 = vector.load %arg11[%swap3A, %swap3A_69] : memref<2000x128xf32, #tpu.memory_space<vmem>>, vector<2000x128xf32>
    tpu.vector_store %arg11[%swap3A, %swap3A_69], %add3A_68 {strides = array<i32>} : memref<2000x128xf32, #tpu.memory_space<vmem>>, vector<2000x128xf32>,
    return
  }
  func.func @transform_0(%arg0: i32) -> (i32, i32) {
    %c0_i32 = arith.constant 0 : i32
    %c0_i32_0 = arith.constant 0 : i32
    return %arg0, %c0_i32 : i32, i32
  }
  func.func @transform_1(%arg0: i32) -> (i32, i32) {
    %c0_i32 = arith.constant 0 : i32
    %c0_i32_0 = arith.constant 0 : i32
    return %arg0, %c0_i32 : i32, i32
  }
  func.func @transform_2(%arg0: i32) -> (i32, i32) {
    %c0_i32 = arith.constant 0 : i32
    %c0_i32_0 = arith.constant 0 : i32
    return %arg0, %c0_i32 : i32, i32
  }
  func.func @transform_3(%arg0: i32) -> (i32, i32) {
    %c0_i32 = arith.constant 0 : i32
    %c0_i32_0 = arith.constant 0 : i32
    %c0_i32_1 = arith.constant 0 : i32
    return %c0_i32, %c0_i32_0 : i32, i32
  }
  func.func @transform_4(%arg0: i32) -> (i32, i32) {
    %c0_i32 = arith.constant 0 : i32
    %c0_i32_0 = arith.constant 0 : i32
    %c0_i32_1 = arith.constant 0 : i32
    return %c0_i32, %c0_i32_0 : i32, i32
  }
  func.func @transform_5(%arg0: i32) -> (i32, i32) {
    %c0_i32 = arith.constant 0 : i32
    %c0_i32_0 = arith.constant 0 : i32
    %c0_i32_1 = arith.constant 0 : i32
    return %c0_i32, %c0_i32_0 : i32, i32
  }
  func.func @transform_6(%arg0: i32) -> (i32, i32) {
    %c0_i32 = arith.constant 0 : i32
    %c0_i32_0 = arith.constant 0 : i32
    %c0_i32_1 = arith.constant 0 : i32
    return %c0_i32, %c0_i32_0 : i32, i32
  }
  func.func @transform_7(%arg0: i32) -> (i32, i32) {
    %c0_i32 = arith.constant 0 : i32
    %c0_i32_0 = arith.constant 0 : i32
    %c0_i32_1 = arith.constant 0 : i32
    return %c0_i32, %c0_i32_0 : i32, i32
  }
  func.func @transform_8(%arg0: i32) -> (i32, i32) {
    %c0_i32 = arith.constant 0 : i32
    %c0_i32_0 = arith.constant 0 : i32
    %c0_i32_1 = arith.constant 0 : i32
    return %c0_i32, %c0_i32_0 : i32, i32
  }
  func.func @transform_9(%arg0: i32) -> (i32, i32) {
    %c0_i32 = arith.constant 0 : i32
    %c0_i32_0 = arith.constant 0 : i32
    %c0_i32_1 = arith.constant 0 : i32
    return %c0_i32, %c0_i32_0 : i32, i32
  }
  func.func @transform_10(%arg0: i32) -> (i32, i32) {
    %c0_i32 = arith.constant 0 : i32
    %c0_i32_0 = arith.constant 0 : i32
    return %arg0, %c0_i32 : i32, i32
  }
}

</mosaic_0001>

<sc_bundles>
// kernel: kernel.10.cloned.1.call-start
scs
__scs_entry_jumppad:
0x0: {  	(pc) =	sbr.rel $0x88, $3  }
0x1: {  	(tag) =	ssettag $0x0;
	lr =	simm.s32 $0x1  }
0x2: {  	[smem:$0x3F78] =	sst lr;
	_ =	strace $0xD0000000  }
0x3: {  	_ = 	snop  }
0x4: {  	_ = 	snop  }
0x5: {  	_ = 	snop  }
0x6: {  	_ = 	snop  }
0x7: {  	_ = 	snop  }
__scs_overlays_trampoline_lowered:
0x8: {  	[smem:$0x3F87] =	sst s0  }
0x9: {  	[smem:$0x3F88] =	sst s1  }
0xa: {  	[smem:$0x3F89] =	sst s2  }
0xb: {  	[smem:$0x3F8A] =	sst s3  }
0xc: {  	[smem:$0x3F8B] =	sst s4  }
0xd: {  	[smem:$0x3F8C] =	sst s5  }
0xe: {  	[smem:$0x3F8D] =	sst s6  }
0xf: {  	[smem:$0x3F8E] =	sst s7  }
0x10: {  	[smem:$0x3F8F] =	sst s8  }
0x11: {  	[smem:$0x3F90] =	sst s9;
	s0 =	simm.s32 @!p0 $0x0  }
0x12: {  	s1 =	sld [smem:$0x3F76];
	s0 =	simm.s32 @p0 $0x1  }
0x13: {  	[smem:$0x3F91] =	sst s0;
	s0 =	simm.s32 @!p1 $0x0  }
0x14: {  	s2 =	sld [smem:$0x3F75];
	s0 =	simm.s32 @p1 $0x1  }
0x15: {  	[smem:$0x3F92] =	sst s0;
	s0 =	simm.s32 @!p2 $0x0  }
0x16: {  	s3 =	sld [smem:$0x3FDB];
	s0 =	simm.s32 @p2 $0x1  }
0x17: {  	s4 =	simm.s32 $0x1BF5;
	[smem:$0x3F94] =	sst s0  }
0x18: {  	s0 =	sld [smem:$0x3F77];
	_ =	swait.ge [sflag:s4], $0x0  }
0x19: {  	s7 =	sld [smem:$0x3F78]  }
0x1a: {  	s8 =	sadd.s32 $0xFFFFE003, lr  }
0x1b: {  	s9 =	sadd.s32 $0xFFFFFEF7, lr;
	s5 =	simm.s32 $0xFFFFFFFF;
	p2 =	slt.u32 s8, $0xFFFFF086  }
0x1c: {  	p1 =	slt.u32 s9, $0xF7A;
	s5 =	simm.s32 @!p2 $0x0  }
0x1d: {  	s5 =	simm.s32 @p1 $0x1;
	p0 =	seq.s32 s7, s2  }
0x1e: {  	s7 =	smul.u32 @!p0 $0xF7A, s2;
	p2 =	seq.s32 @!p0 s5, $0x0  }
0x1f: {  	s9 =	smul.u32 $0xF7A, s1;
	s8 =	simm.s32 @!p0 $0x1BF5;
	p2 =	por !p2, p0  }
0x20: {  	[sflag:s8] =	ssyncset.s32 @!p0 $0xFFFFF086;
	s6 =	sadd.s32 @!p0 s3, s7;
	s7 =	simm.s32 @!p0 $0x108  }
0x21: {  	s3 =	sadd.s32 s3, s9;
	s6 =	sadd.s32 @!p0 $0x88, s6;
	s7 =	simm.s32 @p2 $0x1082  }
0x22: {  	[simem:s7], [sflag:s8] =	dma.local @!p0 [hbm:s6], $0xF7A  }
0x23: {  	s9 =	sor.u32 $0xD0000000, s2;
	s6 =	simm.s32 $0x108;
	_ =	swait.ge @!p0 [sflag:s8], $0x0  }
0x24: {  	s3 =	sadd.s32 $0x88, s3;
	s6 =	simm.s32 @!p1 $0x1082;
	[sflag:s4] =	ssyncset.s32 $0xFFFFF086  }
0x25: {  	[simem:s6], [sflag:s4] =	dma.local [hbm:s3], $0xF7A  }
0x26: {  	[smem:$0x3F78] =	sst s1;
	(tag) =	ssettag s2;
	_ =	strace s9  }
0x27: {  	s1 =	sld [smem:$0x3F88]  }
0x28: {  	s2 =	sld [smem:$0x3F89]  }
0x29: {  	s4 =	sld [smem:$0x3F8B]  }
0x2a: {  	p0 =	seq.s32 s5, $0x0;
	s5 =	sld [smem:$0x3F8C]  }
0x2b: {  	s6 =	sld [smem:$0x3F8D]  }
0x2c: {  	s7 =	sld [smem:$0x3F8E]  }
0x2d: {  	s3 =	simm.s32 $0x108;
	s8 =	sld [smem:$0x3F8F]  }
0x2e: {  	s3 =	simm.s32 @!p0 $0x1082;
	s9 =	sld [smem:$0x3F90]  }
0x2f: {  	lr =	sadd.s32 s0, s3;
	s0 =	sld [smem:$0x3F87]  }
0x30: {  	s3 =	sld [smem:$0x3F8A]  }
0x31: {  	[smem:$0x3F93] =	sst s10  }
0x32: {  	s10 =	sld [smem:$0x3F91];
	_ =	sdelay $0x3  }
0x33: {  	p0 =	seq.s32 s10, $0x1;
	s10 =	sld [smem:$0x3F93];
	_ =	sdelay $0x3  }
0x34: {  	[smem:$0x3F93] =	sst s10  }
0x35: {  	s10 =	sld [smem:$0x3F92];
	_ =	sdelay $0x3  }
0x36: {  	p1 =	seq.s32 s10, $0x1;
	s10 =	sld [smem:$0x3F93];
	_ =	sdelay $0x3  }
0x37: {  	[smem:$0x3F93] =	sst s10  }
0x38: {  	s10 =	sld [smem:$0x3F94]  }
0x39: {  	_ = 	snop;
	(pc) =	sbr.ind lr, $3  }
0x3a: {  	_ = 	snop  }
0x3b: {  	_ = 	snop  }
0x3c: {  	p2 =	seq.s32 s10, $0x1;
	s10 =	sld [smem:$0x3F93]  }
0x3d: {  	_ =	shalt  }
0x3e: {  	_ =	shalt  }
0x3f: {  	_ =	shalt  }
0x40: {  	_ =	shalt  }
0x41: {  	_ =	shalt  }
0x42: {  	_ =	shalt  }
0x43: {  	_ =	shalt  }
0x44: {  	_ =	shalt  }
0x45: {  	_ =	shalt  }
0x46: {  	_ =	shalt  }
0x47: {  	_ =	shalt  }
0x48: {  	_ =	shalt  }
0x49: {  	_ =	shalt  }
0x4a: {  	_ =	shalt  }
0x4b: {  	_ =	shalt  }
0x4c: {  	_ =	shalt  }
0x4d: {  	_ =	shalt  }
0x4e: {  	_ =	shalt  }
0x4f: {  	_ =	shalt  }
0x50: {  	_ =	shalt  }
0x51: {  	_ =	shalt  }
0x52: {  	_ =	shalt  }
0x53: {  	_ =	shalt  }
0x54: {  	_ =	shalt  }
0x55: {  	_ =	shalt  }
0x56: {  	_ =	shalt  }
0x57: {  	_ =	shalt  }
0x58: {  	_ =	shalt  }
0x59: {  	_ =	shalt  }
0x5a: {  	_ =	shalt  }
0x5b: {  	_ =	shalt  }
0x5c: {  	_ =	shalt  }
0x5d: {  	_ =	shalt  }
0x5e: {  	_ =	shalt  }
0x5f: {  	_ =	shalt  }
0x60: {  	_ =	shalt  }
0x61: {  	_ =	shalt  }
0x62: {  	_ =	shalt  }
0x63: {  	_ =	shalt  }
0x64: {  	_ =	shalt  }
0x65: {  	_ =	shalt  }
0x66: {  	_ =	shalt  }
0x67: {  	_ =	shalt  }
0x68: {  	_ =	shalt  }
0x69: {  	_ =	shalt  }
0x6a: {  	_ =	shalt  }
0x6b: {  	_ =	shalt  }
0x6c: {  	_ =	shalt  }
0x6d: {  	_ =	shalt  }
0x6e: {  	_ =	shalt  }
0x6f: {  	_ =	shalt  }
0x70: {  	_ =	shalt  }
0x71: {  	_ =	shalt  }
0x72: {  	_ =	shalt  }
0x73: {  	_ =	shalt  }
0x74: {  	_ =	shalt  }
0x75: {  	_ =	shalt  }
0x76: {  	_ =	shalt  }
0x77: {  	_ =	shalt  }
0x78: {  	_ =	shalt  }
0x79: {  	_ =	shalt  }
0x7a: {  	_ =	shalt  }
0x7b: {  	_ =	shalt  }
0x7c: {  	_ =	shalt  }
0x7d: {  	_ =	shalt  }
0x7e: {  	_ =	shalt  }
0x7f: {  	_ =	shalt  }
0x80: {  	_ =	shalt  }
0x81: {  	_ =	shalt  }
0x82: {  	_ =	shalt  }
0x83: {  	_ =	shalt  }
0x84: {  	_ =	shalt  }
0x85: {  	_ =	shalt  }
0x86: {  	_ =	shalt  }
0x87: {  	_ =	shalt  }
.Lfunc_end0:
.L_simem_size_0:
called_computation_lowered:
.L_overlay_start_0:
0x88: {  	s2 =	sld [smem:$0x3FD9]  }
0x89: {  	s3 =	sld [smem:$0x3FFE];
	_ =	sdelay $0x1  }
0x8a: {  	s1 =	srdreg.scid  }
0x8b: {  	s0 =	sand.u32 $0x1, s1  }
0x8c: {  	s16 =	sshll.u32 s0, $0xA;
	s2 =	sadd.s32 s3, s2  }
0x8d: {  	s2 =	sadd.s32 s2, s16  }
0x8e: {  	[smem:$0x3F9F] =	sst s2  }
0x8f: {  	_ = 	snop  }
0x90: {  	(tm) =	ssettm $0x1  }
0x91: {  	s17 =	sld [smem:$0x3FFB];
	_ =	sdelay $0x3  }
0x92: {  	_ =	strace s17  }
0x93: {  	s2 =	sld [smem:$0x3FFC];
	_ =	sdelay $0x3  }
0x94: {  	_ =	strace s2  }
0x95: {  	s2 =	sld [smem:$0x3FFD];
	_ =	sdelay $0x3  }
0x96: {  	_ =	strace s2  }
0x97: {  	_ =	strace $0x8FFFFFFF  }
0x98: {  	s18 =	sld [smem:$0x3FDB];
	_ =	sdelay $0x1  }
0x99: {  	s19 =	simm.s32 $_scs_section_size  }
0x9a: {  	s4 =	simm.s32 $_size__tile_overlayer_lowered;
	s5 =	simm.s32 $_tile_overlayer_lowered  }
0x9b: {  	s22 =	simm.s32 $0x1BFF;
	s21 =	sshll.u32 s5, $0x1;
	s2 =	sadd.s32 s19, s18  }
0x9c: {  	s6 =	simm.s32 $0x0;
	s20 =	sshll.u32 s4, $0x1;
	s4 =	sadd.s32 s21, s2  }
0x9d: {  	[timem:s6], [sflag:s22] =	dma.local [hbm:s4], s20  }
0x9e: {  	_ =	swait.ge [sflag:s22], s20  }
0x9f: {  	s3 =	ssub.s32 $0x0, s20;
	[sflag:s22] =	ssyncset.done $0x0  }
0xa0: {  	[sflag:s22] =	ssyncadd.s32 s3;
	_ =	sdelay $0x1  }
0xa1: {  	s23 =	simm.s32 $0x1B8B  }
0xa2: {  	_ =	swait.ge [sflag:s23], $0x1  }
0xa3: {  	[sflag:s23] =	ssyncset.done $0x0  }
0xa4: {  	s25 =	simm.s32 $0x1B8E;
	s24 =	sld [smem:$0x3FFE];
	[sflag:s23] =	ssyncadd.s32 $0xFFFFFFFF  }
0xa5: {  	s26 =	simm.s32 $execute0_lowered;
	[smem:$0x3FD2] =	sst s25  }
0xa6: {  	s4 =	sshll.u32 s26, $0x1;
	_ =	strace $0x80000046;
	[dreg:$0x1] =	wrdreg $0xFFFFFFFF  }
0xa7: {  	s28 =	simm.s32 $_size_execute0_lowered;
	s2 =	sadd.s32 s2, s4;
	[dreg:$0x0] =	wrdreg $0x0  }
0xa8: {  	s4 =	sshll.u32 s28, $0x1;
	[dreg:$0x2] =	wrdreg s2  }
0xa9: {  	[dreg:$0x3] =	wrdreg s4  }
0xaa: {  	[dreg:$0x4] =	wrdreg $0xC0  }
0xab: {  	_ =	task [dreg:s6], $0x5FFFF  }
0xac: {  	[dreg:$0x1] =	wrdreg $0xFFFFFFFF  }
0xad: {  	[dreg:$0x0] =	wrdreg $0x60  }
0xae: {  	[dreg:$0x2] =	wrdreg s24  }
0xaf: {  	[dreg:$0x3] =	wrdreg $0x9  }
0xb0: {  	_ =	task.clear_ibuf [dreg:s6], $0x4FFFF;
	_ =	strace $0x90000046  }
0xb1: {  	s29 =	simm.s32 $0x9;
	_ =	strace $0x80000048  }
0xb2: {  	_ =	swait.ge [sflag:s29], $0x1  }
0xb3: {  	[sflag:s29] =	ssyncadd.s32 $0xFFFFFFFF  }
0xb4: {  	_ =	strace $0x90000048  }
0xb5: {  	_ =	sfence  }
0xb6: {  	s30 =	sld [smem:$0x0];
	_ =	sdelay $0x2  }
0xb7: {  	s31 =	sshll.u32 s1, $0xD;
	s1 =	sshrl.u32 s1, $0x2  }
0xb8: {  	s3 =	sand.u32 $0x4000, s31;
	s1 =	sadd.s32 s1, s30  }
0xb9: {  	s0 =	sor.u32 s3, s0;
	s1 =	sshll.u32 s1, $0x11  }
0xba: {  	s0 =	sor.u32 s1, s0  }
0xbb: {  	s0 =	sadd.s32 $0x8F2B, s0  }
0xbc: {  	[sflag:s0] =	ssyncadd.remote.s32 $0x1  }
0xbd: {  	_ =	sfence.sel $0xFFFF  }
0xbe: {  	[dreg:$0x0] =	wrdreg $0xFFFFFFFF;
	(pc) =	sbr.abs _section_cstart, $3  }
0xbf: {  	[dreg:$0x1] =	wrdreg $0xFFFFFFFF  }
0xc0: {  	_ =	task.clear_ibuf [dreg:s6], $0x2FFFF;
	_ =	strace $0x9FFFFFFF  }
0xc1: {  	(tm) =	ssettm $0x7FFFFFFF  }
tec
execute0_lowered:
.L_overlay_start_1:
0x0: {  	(tag) =	ssettag $0x1  }
0x1: {  	s5 =	rddreg [dreg:$0x0]  }
0x2: {  	s0 =	rddreg [dreg:$0x1]  }
0x3: {  	s2 =	simm.s32 $0x0;
	s3 =	srdreg.scid;
	s1 =	stileid.u32  }
0x4: {  	s11 =	simm.s32 $0x80;
	s12 =	simm.s32 $0x50;
	s13 =	simm.s32 $0x100  }
0x5: {  	s14 =	simm.s32 $0x2900;
	s15 =	simm.s32 $0x1;
	s7 =	smul.u32 $0x4E20, s1  }
0x6: {  	s16 =	simm.s32 $0x2;
	s6 =	sand.u32 $0x1, s3;
	s9 =	smul.u32 $0x4E200, s1  }
0x7: {  	s17 =	simm.s32 $0x0;
	s3 =	sadd.s32 $0x28C600, s5;
	s8 =	smul.u32 $0x2710, s6  }
0x8: {  	[smem:$0x7FF] =	sst s2;
	s4 =	sadd.s32 $0x1A1E00, s5;
	s10 =	smul.u32 $0x27100, s6  }
0x9: {  	_ =	strace $0x80000047;
	s6 =	ssub.s32 $0x2, s6;
	s29 =	sadd.s32 s9, s5  }
0xa: {  	s30 =	sshrl.u32 s6, $0x1;
	s7 =	sadd.s32 s8, s7;
	s8 =	sadd.s32 s10, s29  }
0xb: {  	s6 =	ssub.s32 s6, s30;
	s10 =	simm.s32 $0x3;
	s7 =	sshrl.u32 s7, $0x3  }
0xc: {  	s31 =	sadd.s32 s7, s5;
	s5 =	sadd.s32 $0x34FC00, s8;
	s7 =	sadd.s32 $0x831C00, s8  }
0xd: {  	s6 =	smax.u32 s6, $0x1;
	s8 =	sadd.s32 $0x198000, s31;
	s9 =	sadd.s32 $0x18E200, s31  }
.LBB2_1:
0xe: {  	s18 =	sadd.s32 $0x0, s9  }
0xf: {  	[tilespmem:s2], [sflag:$0x3] =	stream.linear.gather [hbm4b:s18+s2], $0x50, $0x38;
	[tilespmem:$0x5100] =	vst v63  }
0x10: {  	_ =	swait.ge [sflag:s10], $0x50  }
0x11: {  	[sflag:s10] =	ssyncset.done $0x0  }
0x12: {  	s31 =	sadd.s32 $0x0, s8;
	[sflag:s10] =	ssyncadd.s32 $0xFFFFFFB0  }
0x13: {  	[tilespmem:s11], [sflag:$0x3] =	stream.linear.gather [hbm4b:s31+s2], $0x50, $0x38;
	[tilespmem:$0x5100] =	vst v63  }
0x14: {  	_ =	swait.ge [sflag:s10], $0x50  }
0x15: {  	[sflag:s10] =	ssyncset.done $0x0  }
0x16: {  	[sflag:s10] =	ssyncadd.s32 $0xFFFFFFB0  }
0x17: {  	[tilespmem:s13], [sflag:$0x1] =	stream.indirect.gather [hbm4b:s3+s12], $0x80, s2, s12, $0xb8;
	[tilespmem:$0x5100] =	vst v63  }
0x18: {  	_ = 	snop  }
0x19: {  	[tilespmem:s14], [sflag:$0x2] =	stream.indirect.gather [hbm4b:s4+s12], $0x80, s11, s12, $0xb8;
	[tilespmem:$0x5100] =	vst v63  }
0x1a: {  	_ =	swait.ge [sflag:s15], $0x2800  }
0x1b: {  	[sflag:s15] =	ssyncset.done $0x0  }
0x1c: {  	[sflag:s15] =	ssyncadd.s32 $0xFFFFD800  }
0x1d: {  	_ =	swait.ge [sflag:s16], $0x2800  }
0x1e: {  	[sflag:s16] =	ssyncset.done $0x0  }
0x1f: {  	[sflag:s16] =	ssyncadd.s32 $0xFFFFD800  }
0x20: {  	[hbm4b:s5+s2] =	stream.linear.scatter [tilespmem:s13], [sflag:$0x3], $0x2800, $0x38;
	[tilespmem:$0x5100] =	vst v63  }
0x21: {  	_ =	swait.ge [sflag:s10], $0x2800  }
0x22: {  	[sflag:s10] =	ssyncset.done $0x0  }
0x23: {  	[sflag:s10] =	ssyncadd.s32 $0xFFFFD800  }
0x24: {  	[hbm4b:s7+s2] =	stream.linear.scatter [tilespmem:s14], [sflag:$0x3], $0x2800, $0x38;
	[tilespmem:$0x5100] =	vst v63  }
0x25: {  	s20 =	simm.s32 $0xA;
	s21 =	simm.s32 $0x14;
	_ =	swait.ge [sflag:s10], $0x2800  }
0x26: {  	s19 =	sadd.s32 $0x500, s5;
	s18 =	sadd.s32 $0x500, s7;
	[sflag:s10] =	ssyncset.done $0x0  }
.LBB2_2:
0x27: {  	s22 =	sadd.s32 s20, s9  }
0x28: {  	[sflag:s10] =	ssyncadd.s32 $0xFFFFD800;
	s23 =	smov.u32 s21;
	s24 =	sadd.s32 $0xA, s21  }
0x29: {  	[tilespmem:s2], [sflag:$0x3] =	stream.linear.gather [hbm4b:s22+s2], $0x50, $0x38;
	[tilespmem:$0x5100] =	vst v63  }
0x2a: {  	p0 =	sne.s32 s21, $0x4D8;
	_ =	swait.ge [sflag:s10], $0x50  }
0x2b: {  	[sflag:s10] =	ssyncset.done $0x0  }
0x2c: {  	s21 =	sadd.s32 s20, s8;
	s20 =	smov.u32 s23;
	[sflag:s10] =	ssyncadd.s32 $0xFFFFFFB0  }
0x2d: {  	[tilespmem:s11], [sflag:$0x3] =	stream.linear.gather [hbm4b:s21+s2], $0x50, $0x38;
	[tilespmem:$0x5100] =	vst v63  }
0x2e: {  	_ =	swait.ge [sflag:s10], $0x50  }
0x2f: {  	[sflag:s10] =	ssyncset.done $0x0  }
0x30: {  	[sflag:s10] =	ssyncadd.s32 $0xFFFFFFB0  }
0x31: {  	[tilespmem:s13], [sflag:$0x1] =	stream.indirect.gather [hbm4b:s3+s12], $0x80, s2, s12, $0xb8;
	[tilespmem:$0x5100] =	vst v63  }
0x32: {  	_ = 	snop  }
0x33: {  	[tilespmem:s14], [sflag:$0x2] =	stream.indirect.gather [hbm4b:s4+s12], $0x80, s11, s12, $0xb8;
	[tilespmem:$0x5100] =	vst v63  }
0x34: {  	_ =	swait.ge [sflag:s15], $0x2800  }
0x35: {  	[sflag:s15] =	ssyncset.done $0x0  }
0x36: {  	[sflag:s15] =	ssyncadd.s32 $0xFFFFD800  }
0x37: {  	_ =	swait.ge [sflag:s16], $0x2800  }
0x38: {  	[sflag:s16] =	ssyncset.done $0x0  }
0x39: {  	[sflag:s16] =	ssyncadd.s32 $0xFFFFD800  }
0x3a: {  	[hbm4b:s19+s2] =	stream.linear.scatter [tilespmem:s13], [sflag:$0x3], $0x2800, $0x38;
	[tilespmem:$0x5100] =	vst v63  }
0x3b: {  	_ =	swait.ge [sflag:s10], $0x2800  }
.Ltmp0:
0x3c: {  	[sflag:s10] =	ssyncset.done $0x0;
	(pc) =	sbr.rel @p0 .LBB2_2-.Ltmp0, $4  }
0x3d: {  	[sflag:s10] =	ssyncadd.s32 $0xFFFFD800  }
0x3e: {  	[hbm4b:s18+s2] =	stream.linear.scatter [tilespmem:s14], [sflag:$0x3], $0x2800, $0x38;
	[tilespmem:$0x5100] =	vst v63  }
0x3f: {  	s21 =	smov.u32 s24;
	_ =	swait.ge [sflag:s10], $0x2800  }
0x40: {  	s19 =	sadd.s32 $0x500, s19;
	s18 =	sadd.s32 $0x500, s18;
	[sflag:s10] =	ssyncset.done $0x0  }
0x41: {  	s21 =	sadd.s32 s20, s9;
	[sflag:s10] =	ssyncadd.s32 $0xFFFFD800  }
0x42: {  	[tilespmem:s2], [sflag:$0x3] =	stream.linear.gather [hbm4b:s21+s2], $0x50, $0x38;
	[tilespmem:$0x5100] =	vst v63  }
0x43: {  	_ =	swait.ge [sflag:s10], $0x50  }
0x44: {  	[sflag:s10] =	ssyncset.done $0x0  }
0x45: {  	s31 =	sadd.s32 s20, s8;
	[sflag:s10] =	ssyncadd.s32 $0xFFFFFFB0  }
0x46: {  	[tilespmem:s11], [sflag:$0x3] =	stream.linear.gather [hbm4b:s31+s2], $0x50, $0x38;
	[tilespmem:$0x5100] =	vst v63  }
0x47: {  	_ =	swait.ge [sflag:s10], $0x50  }
0x48: {  	[sflag:s10] =	ssyncset.done $0x0  }
0x49: {  	[sflag:s10] =	ssyncadd.s32 $0xFFFFFFB0  }
0x4a: {  	[tilespmem:s13], [sflag:$0x1] =	stream.indirect.gather [hbm4b:s3+s12], $0x80, s2, s12, $0xb8;
	[tilespmem:$0x5100] =	vst v63  }
0x4b: {  	_ = 	snop  }
0x4c: {  	[tilespmem:s14], [sflag:$0x2] =	stream.indirect.gather [hbm4b:s4+s12], $0x80, s11, s12, $0xb8;
	[tilespmem:$0x5100] =	vst v63  }
0x4d: {  	_ =	swait.ge [sflag:s15], $0x2800  }
0x4e: {  	[sflag:s15] =	ssyncset.done $0x0  }
0x4f: {  	[sflag:s15] =	ssyncadd.s32 $0xFFFFD800  }
0x50: {  	_ =	swait.ge [sflag:s16], $0x2800  }
0x51: {  	[sflag:s16] =	ssyncset.done $0x0  }
0x52: {  	[sflag:s16] =	ssyncadd.s32 $0xFFFFD800  }
0x53: {  	[hbm4b:s19+s2] =	stream.linear.scatter [tilespmem:s13], [sflag:$0x3], $0x2800, $0x38;
	[tilespmem:$0x5100] =	vst v63  }
0x54: {  	s17 =	sadd.s32 $0x1, s17;
	_ =	swait.ge [sflag:s10], $0x2800  }
0x55: {  	p0 =	sne.s32 s17, s6;
	[sflag:s10] =	ssyncset.done $0x0  }
.Ltmp1:
0x56: {  	[sflag:s10] =	ssyncadd.s32 $0xFFFFD800;
	(pc) =	sbr.rel @p0 .LBB2_1-.Ltmp1, $4  }
0x57: {  	[hbm4b:s18+s2] =	stream.linear.scatter [tilespmem:s14], [sflag:$0x3], $0x2800, $0x38;
	[tilespmem:$0x5100] =	vst v63  }
0x58: {  	_ =	swait.ge [sflag:s10], $0x2800  }
0x59: {  	[sflag:s10] =	ssyncset.done $0x0  }
0x5a: {  	[sflag:s10] =	ssyncadd.s32 $0xFFFFD800  }
0x5b: {  	_ =	sfence.sel $0x180000  }
0x5c: {  	[bflag:$0x0] =	sbarrier.arrive $0xFFFF  }
0x5d: {  	p0 =	sne.s32 s1, $0x0;
	_ =	strace $0x90000047  }
0x5e: {  	s0 =	sadd.s32 @!p0 $0x100000, s0;
	[bflag:$0x2] =	sbarrier.arrive $0xFFFF  }
0x5f: {  	[sflag:s0] =	ssyncadd.tile.s32 @!p0 $0x1;
	_ =	shalt  }
.Lfunc_end2:
_tile_overlayer_lowered:
.L_overlay_start_2:
0x60: {  	(tag) =	ssettag $0x2  }
0x61: {  	s0 =	rddreg [dreg:$0x0];
	s2 =	stileid.u32  }
0x62: {  	s1 =	rddreg [dreg:$0x1];
	p0 =	sne.s32 s2, $0x0  }
0x63: {  	s3 =	rddreg [dreg:$0x2];
	[bflag:$0x3] =	sbarrier.arrive $0xFFFF;
	s2 =	simm.s32 @!p0 $0x1C03  }
0x64: {  	[timem:s3], [sflag:s2] =	dma.local @!p0 [hbm:s0], s1  }
0x65: {  	s0 =	simm.s32 @!p0 $0x3  }
0x66: {  	_ =	swait.ge @!p0 [sflag:s0], s1  }
0x67: {  	s1 =	ssub.s32 @!p0 $0x0, s1;
	[sflag:s0] =	ssyncset.done @!p0 $0x0  }
0x68: {  	[sflag:s0] =	ssyncadd.s32 @!p0 s1  }
0x69: {  	[bflag:$0x3] =	sbarrier.arrive $0xFFFF  }
0x6a: {  	_ =	shalt  }

// kernel: kernel.13.cloned.1.call-start
scs
__scs_entry_jumppad:
0x0: {  	(pc) =	sbr.rel $0x88, $3  }
0x1: {  	(tag) =	ssettag $0x0;
	lr =	simm.s32 $0x1  }
0x2: {  	[smem:$0x3F78] =	sst lr;
	_ =	strace $0xD0000000  }
0x3: {  	_ = 	snop  }
0x4: {  	_ = 	snop  }
0x5: {  	_ = 	snop  }
0x6: {  	_ = 	snop  }
0x7: {  	_ = 	snop  }
__scs_overlays_trampoline_lowered:
0x8: {  	[smem:$0x3F87] =	sst s0  }
0x9: {  	[smem:$0x3F88] =	sst s1  }
0xa: {  	[smem:$0x3F89] =	sst s2  }
0xb: {  	[smem:$0x3F8A] =	sst s3  }
0xc: {  	[smem:$0x3F8B] =	sst s4  }
0xd: {  	[smem:$0x3F8C] =	sst s5  }
0xe: {  	[smem:$0x3F8D] =	sst s6  }
0xf: {  	[smem:$0x3F8E] =	sst s7  }
0x10: {  	[smem:$0x3F8F] =	sst s8  }
0x11: {  	[smem:$0x3F90] =	sst s9;
	s0 =	simm.s32 @!p0 $0x0  }
0x12: {  	s1 =	sld [smem:$0x3F76];
	s0 =	simm.s32 @p0 $0x1  }
0x13: {  	[smem:$0x3F91] =	sst s0;
	s0 =	simm.s32 @!p1 $0x0  }
0x14: {  	s2 =	sld [smem:$0x3F75];
	s0 =	simm.s32 @p1 $0x1  }
0x15: {  	[smem:$0x3F92] =	sst s0;
	s0 =	simm.s32 @!p2 $0x0  }
0x16: {  	s3 =	sld [smem:$0x3FDB];
	s0 =	simm.s32 @p2 $0x1  }
0x17: {  	s4 =	simm.s32 $0x1BF5;
	[smem:$0x3F94] =	sst s0  }
0x18: {  	s0 =	sld [smem:$0x3F77];
	_ =	swait.ge [sflag:s4], $0x0  }
0x19: {  	s7 =	sld [smem:$0x3F78]  }
0x1a: {  	s8 =	sadd.s32 $0xFFFFE003, lr  }
0x1b: {  	s9 =	sadd.s32 $0xFFFFFEF7, lr;
	s5 =	simm.s32 $0xFFFFFFFF;
	p2 =	slt.u32 s8, $0xFFFFF086  }
0x1c: {  	p1 =	slt.u32 s9, $0xF7A;
	s5 =	simm.s32 @!p2 $0x0  }
0x1d: {  	s5 =	simm.s32 @p1 $0x1;
	p0 =	seq.s32 s7, s2  }
0x1e: {  	s7 =	smul.u32 @!p0 $0xF7A, s2;
	p2 =	seq.s32 @!p0 s5, $0x0  }
0x1f: {  	s9 =	smul.u32 $0xF7A, s1;
	s8 =	simm.s32 @!p0 $0x1BF5;
	p2 =	por !p2, p0  }
0x20: {  	[sflag:s8] =	ssyncset.s32 @!p0 $0xFFFFF086;
	s6 =	sadd.s32 @!p0 s3, s7;
	s7 =	simm.s32 @!p0 $0x108  }
0x21: {  	s3 =	sadd.s32 s3, s9;
	s6 =	sadd.s32 @!p0 $0x88, s6;
	s7 =	simm.s32 @p2 $0x1082  }
0x22: {  	[simem:s7], [sflag:s8] =	dma.local @!p0 [hbm:s6], $0xF7A  }
0x23: {  	s9 =	sor.u32 $0xD0000000, s2;
	s6 =	simm.s32 $0x108;
	_ =	swait.ge @!p0 [sflag:s8], $0x0  }
0x24: {  	s3 =	sadd.s32 $0x88, s3;
	s6 =	simm.s32 @!p1 $0x1082;
	[sflag:s4] =	ssyncset.s32 $0xFFFFF086  }
0x25: {  	[simem:s6], [sflag:s4] =	dma.local [hbm:s3], $0xF7A  }
0x26: {  	[smem:$0x3F78] =	sst s1;
	(tag) =	ssettag s2;
	_ =	strace s9  }
0x27: {  	s1 =	sld [smem:$0x3F88]  }
0x28: {  	s2 =	sld [smem:$0x3F89]  }
0x29: {  	s4 =	sld [smem:$0x3F8B]  }
0x2a: {  	p0 =	seq.s32 s5, $0x0;
	s5 =	sld [smem:$0x3F8C]  }
0x2b: {  	s6 =	sld [smem:$0x3F8D]  }
0x2c: {  	s7 =	sld [smem:$0x3F8E]  }
0x2d: {  	s3 =	simm.s32 $0x108;
	s8 =	sld [smem:$0x3F8F]  }
0x2e: {  	s3 =	simm.s32 @!p0 $0x1082;
	s9 =	sld [smem:$0x3F90]  }
0x2f: {  	lr =	sadd.s32 s0, s3;
	s0 =	sld [smem:$0x3F87]  }
0x30: {  	s3 =	sld [smem:$0x3F8A]  }
0x31: {  	[smem:$0x3F93] =	sst s10  }
0x32: {  	s10 =	sld [smem:$0x3F91];
	_ =	sdelay $0x3  }
0x33: {  	p0 =	seq.s32 s10, $0x1;
	s10 =	sld [smem:$0x3F93];
	_ =	sdelay $0x3  }
0x34: {  	[smem:$0x3F93] =	sst s10  }
0x35: {  	s10 =	sld [smem:$0x3F92];
	_ =	sdelay $0x3  }
0x36: {  	p1 =	seq.s32 s10, $0x1;
	s10 =	sld [smem:$0x3F93];
	_ =	sdelay $0x3  }
0x37: {  	[smem:$0x3F93] =	sst s10  }
0x38: {  	s10 =	sld [smem:$0x3F94]  }
0x39: {  	_ = 	snop;
	(pc) =	sbr.ind lr, $3  }
0x3a: {  	_ = 	snop  }
0x3b: {  	_ = 	snop  }
0x3c: {  	p2 =	seq.s32 s10, $0x1;
	s10 =	sld [smem:$0x3F93]  }
0x3d: {  	_ =	shalt  }
0x3e: {  	_ =	shalt  }
0x3f: {  	_ =	shalt  }
0x40: {  	_ =	shalt  }
0x41: {  	_ =	shalt  }
0x42: {  	_ =	shalt  }
0x43: {  	_ =	shalt  }
0x44: {  	_ =	shalt  }
0x45: {  	_ =	shalt  }
0x46: {  	_ =	shalt  }
0x47: {  	_ =	shalt  }
0x48: {  	_ =	shalt  }
0x49: {  	_ =	shalt  }
0x4a: {  	_ =	shalt  }
0x4b: {  	_ =	shalt  }
0x4c: {  	_ =	shalt  }
0x4d: {  	_ =	shalt  }
0x4e: {  	_ =	shalt  }
0x4f: {  	_ =	shalt  }
0x50: {  	_ =	shalt  }
0x51: {  	_ =	shalt  }
0x52: {  	_ =	shalt  }
0x53: {  	_ =	shalt  }
0x54: {  	_ =	shalt  }
0x55: {  	_ =	shalt  }
0x56: {  	_ =	shalt  }
0x57: {  	_ =	shalt  }
0x58: {  	_ =	shalt  }
0x59: {  	_ =	shalt  }
0x5a: {  	_ =	shalt  }
0x5b: {  	_ =	shalt  }
0x5c: {  	_ =	shalt  }
0x5d: {  	_ =	shalt  }
0x5e: {  	_ =	shalt  }
0x5f: {  	_ =	shalt  }
0x60: {  	_ =	shalt  }
0x61: {  	_ =	shalt  }
0x62: {  	_ =	shalt  }
0x63: {  	_ =	shalt  }
0x64: {  	_ =	shalt  }
0x65: {  	_ =	shalt  }
0x66: {  	_ =	shalt  }
0x67: {  	_ =	shalt  }
0x68: {  	_ =	shalt  }
0x69: {  	_ =	shalt  }
0x6a: {  	_ =	shalt  }
0x6b: {  	_ =	shalt  }
0x6c: {  	_ =	shalt  }
0x6d: {  	_ =	shalt  }
0x6e: {  	_ =	shalt  }
0x6f: {  	_ =	shalt  }
0x70: {  	_ =	shalt  }
0x71: {  	_ =	shalt  }
0x72: {  	_ =	shalt  }
0x73: {  	_ =	shalt  }
0x74: {  	_ =	shalt  }
0x75: {  	_ =	shalt  }
0x76: {  	_ =	shalt  }
0x77: {  	_ =	shalt  }
0x78: {  	_ =	shalt  }
0x79: {  	_ =	shalt  }
0x7a: {  	_ =	shalt  }
0x7b: {  	_ =	shalt  }
0x7c: {  	_ =	shalt  }
0x7d: {  	_ =	shalt  }
0x7e: {  	_ =	shalt  }
0x7f: {  	_ =	shalt  }
0x80: {  	_ =	shalt  }
0x81: {  	_ =	shalt  }
0x82: {  	_ =	shalt  }
0x83: {  	_ =	shalt  }
0x84: {  	_ =	shalt  }
0x85: {  	_ =	shalt  }
0x86: {  	_ =	shalt  }
0x87: {  	_ =	shalt  }
.Lfunc_end0:
.L_simem_size_0:
called_computation.1_lowered:
.L_overlay_start_0:
0x88: {  	s2 =	sld [smem:$0x3FD9]  }
0x89: {  	s3 =	sld [smem:$0x3FFE];
	_ =	sdelay $0x1  }
0x8a: {  	s1 =	srdreg.scid  }
0x8b: {  	s0 =	sand.u32 $0x1, s1  }
0x8c: {  	s16 =	sshll.u32 s0, $0xA;
	s2 =	sadd.s32 s3, s2  }
0x8d: {  	s2 =	sadd.s32 s2, s16  }
0x8e: {  	[smem:$0x3F9F] =	sst s2  }
0x8f: {  	_ = 	snop  }
0x90: {  	(tm) =	ssettm $0x1  }
0x91: {  	s17 =	sld [smem:$0x3FFB];
	_ =	sdelay $0x3  }
0x92: {  	_ =	strace s17  }
0x93: {  	s2 =	sld [smem:$0x3FFC];
	_ =	sdelay $0x3  }
0x94: {  	_ =	strace s2  }
0x95: {  	s2 =	sld [smem:$0x3FFD];
	_ =	sdelay $0x3  }
0x96: {  	_ =	strace s2  }
0x97: {  	_ =	strace $0x8FFFFFFF  }
0x98: {  	s18 =	sld [smem:$0x3FDB];
	_ =	sdelay $0x1  }
0x99: {  	s19 =	simm.s32 $_scs_section_size  }
0x9a: {  	s4 =	simm.s32 $_size__tile_overlayer_lowered;
	s5 =	simm.s32 $_tile_overlayer_lowered  }
0x9b: {  	s22 =	simm.s32 $0x1BFF;
	s21 =	sshll.u32 s5, $0x1;
	s2 =	sadd.s32 s19, s18  }
0x9c: {  	s6 =	simm.s32 $0x0;
	s20 =	sshll.u32 s4, $0x1;
	s4 =	sadd.s32 s21, s2  }
0x9d: {  	[timem:s6], [sflag:s22] =	dma.local [hbm:s4], s20  }
0x9e: {  	_ =	swait.ge [sflag:s22], s20  }
0x9f: {  	s3 =	ssub.s32 $0x0, s20;
	[sflag:s22] =	ssyncset.done $0x0  }
0xa0: {  	[sflag:s22] =	ssyncadd.s32 s3;
	_ =	sdelay $0x1  }
0xa1: {  	s23 =	simm.s32 $0x1B8B  }
0xa2: {  	_ =	swait.ge [sflag:s23], $0x1  }
0xa3: {  	[sflag:s23] =	ssyncset.done $0x0  }
0xa4: {  	s25 =	simm.s32 $0x1B8E;
	s24 =	sld [smem:$0x3FFE];
	[sflag:s23] =	ssyncadd.s32 $0xFFFFFFFF  }
0xa5: {  	s26 =	simm.s32 $execute0_lowered;
	[smem:$0x3FD2] =	sst s25  }
0xa6: {  	s4 =	sshll.u32 s26, $0x1;
	_ =	strace $0x80000049;
	[dreg:$0x1] =	wrdreg $0xFFFFFFFF  }
0xa7: {  	s28 =	simm.s32 $_size_execute0_lowered;
	s2 =	sadd.s32 s2, s4;
	[dreg:$0x0] =	wrdreg $0x0  }
0xa8: {  	s4 =	sshll.u32 s28, $0x1;
	[dreg:$0x2] =	wrdreg s2  }
0xa9: {  	[dreg:$0x3] =	wrdreg s4  }
0xaa: {  	[dreg:$0x4] =	wrdreg $0xC0  }
0xab: {  	_ =	task [dreg:s6], $0x5FFFF  }
0xac: {  	[dreg:$0x1] =	wrdreg $0xFFFFFFFF  }
0xad: {  	[dreg:$0x0] =	wrdreg $0x60  }
0xae: {  	[dreg:$0x2] =	wrdreg s24  }
0xaf: {  	[dreg:$0x3] =	wrdreg $0x28800  }
0xb0: {  	[dreg:$0x4] =	wrdreg $0x9  }
0xb1: {  	_ =	task.clear_ibuf [dreg:s6], $0x5FFFF;
	_ =	strace $0x90000049  }
0xb2: {  	s29 =	simm.s32 $0x9;
	_ =	strace $0x8000004B  }
0xb3: {  	_ =	swait.ge [sflag:s29], $0x1  }
0xb4: {  	[sflag:s29] =	ssyncadd.s32 $0xFFFFFFFF  }
0xb5: {  	_ =	strace $0x9000004B  }
0xb6: {  	_ =	sfence  }
0xb7: {  	s30 =	sld [smem:$0x0];
	_ =	sdelay $0x2  }
0xb8: {  	s31 =	sshll.u32 s1, $0xD;
	s1 =	sshrl.u32 s1, $0x2  }
0xb9: {  	s3 =	sand.u32 $0x4000, s31;
	s1 =	sadd.s32 s1, s30  }
0xba: {  	s0 =	sor.u32 s3, s0;
	s1 =	sshll.u32 s1, $0x11  }
0xbb: {  	s0 =	sor.u32 s1, s0  }
0xbc: {  	s0 =	sadd.s32 $0x8F2B, s0  }
0xbd: {  	[sflag:s0] =	ssyncadd.remote.s32 $0x1  }
0xbe: {  	_ =	sfence.sel $0xFFFF  }
0xbf: {  	[dreg:$0x0] =	wrdreg $0xFFFFFFFF;
	(pc) =	sbr.abs _section_cstart, $3  }
0xc0: {  	[dreg:$0x1] =	wrdreg $0xFFFFFFFF  }
0xc1: {  	_ =	task.clear_ibuf [dreg:s6], $0x2FFFF;
	_ =	strace $0x9FFFFFFF  }
0xc2: {  	(tm) =	ssettm $0x7FFFFFFF  }
0xc3: {  	_ =	shalt  }
tec
execute0_lowered:
.L_overlay_start_1:
0x0: {  	(tag) =	ssettag $0x1  }
0x1: {  	s0 =	stileid.u32  }
0x2: {  	s1 =	srdreg.scid;
	s6 =	rddreg [dreg:$0x0]  }
0x3: {  	s2 =	rddreg [dreg:$0x1];
	s4 =	smul.u32 $0x4E20, s0  }
0x4: {  	s3 =	simm.s32 $0x0;
	s17 =	simm.s32 $0x0;
	s8 =	smul.u32 $0x4E200, s0  }
0x5: {  	s7 =	sand.u32 $0x1, s1;
	s1 =	rddreg [dreg:$0x2];
	s9 =	smul.u32 $0x13800, s0  }
0x6: {  	[smem:$0x7FF] =	sst s3;
	s28 =	smul.u32 $0x4E000, s0;
	s12 =	sadd.s32 $0x2E000, s6  }
0x7: {  	s15 =	sadd.s32 $0x138000, s2;
	p0 =	sne.s32 s0, $0xF;
	s5 =	smul.u32 $0x2710, s7  }
0x8: {  	s31 =	sshll.u32 s0, $0x6;
	_ =	strace $0x8000004A;
	s30 =	smul.u32 $0x138800, s7  }
0x9: {  	s26 =	ssub.s32 $0x2, s7;
	s16 =	smul.u32 $0x27100, s7;
	s10 =	sadd.s32 s8, s6  }
0xa: {  	s25 =	sshrl.u32 s9, $0x3;
	s13 =	sshrl.u32 s26, $0x1;
	s29 =	sshrl.u32 s28, $0x2  }
0xb: {  	s4 =	sadd.s32 s5, s4;
	s13 =	ssub.s32 s26, s13;
	s14 =	sadd.s32 s29, s2  }
0xc: {  	s5 =	sor.u32 $0x1C01, s31;
	s9 =	sadd.s32 s9, s30;
	s8 =	sshrl.u32 s30, $0x3  }
0xd: {  	s10 =	sadd.s32 s16, s10;
	s16 =	simm.s32 $0x50;
	s4 =	sshrl.u32 s4, $0x3  }
0xe: {  	s9 =	sshrl.u32 s9, $0x3;
	s8 =	sadd.s32 s12, s8;
	s10 =	sadd.s32 $0xD13C00, s10  }
0xf: {  	s11 =	sadd.s32 s4, s6;
	s4 =	sadd.s32 s25, s6;
	s6 =	sadd.s32 $0x2DE00, s6  }
0x10: {  	s7 =	sadd.s32 s12, s9;
	s8 =	sadd.s32 $0x27000, s8;
	s9 =	smax.u32 s13, $0x1  }
0x11: {  	s12 =	sshrl.u32 s14, $0x3;
	s13 =	simm.s32 $0x1;
	s14 =	sshrl.u32 @!p0 s15, $0x3  }
0x12: {  	s15 =	simm.s32 $0x80;
	s4 =	sadd.s32 $0x6E00, s4;
	s11 =	sadd.s32 $0x198000, s11  }
.LBB2_1:
0x13: {  	[spmem:s12], [sflag:s5] =	dma.local [hbm:s4], $0x2700  }
0x14: {  	_ =	swait.ge [sflag:s13], $0x2700  }
0x15: {  	[sflag:s13] =	ssyncset.done $0x0  }
0x16: {  	s18 =	simm.s32 @!p0 $0x1;
	[sflag:s13] =	ssyncadd.s32 $0xFFFFD900  }
0x17: {  	[spmem:s14], [sflag:s5] =	dma.local @!p0 [hbm:s6], $0x100  }
0x18: {  	_ =	swait.ge @!p0 [sflag:s18], $0x100  }
0x19: {  	[sflag:s18] =	ssyncset.done @!p0 $0x0  }
0x1a: {  	[sflag:s18] =	ssyncadd.s32 @!p0 $0xFFFFFF00  }
0x1b: {  	s31 =	sadd.s32 $0x0, s11;
	[bflag:$0x0] =	sbarrier.arrive $0xFFFF  }
0x1c: {  	[tilespmem:s3], [sflag:$0x1] =	stream.linear.gather [hbm4b:s31+s3], $0x50, $0x38;
	[tilespmem:$0x16100] =	vst v63  }
0x1d: {  	_ =	swait.ge [sflag:s13], $0x50  }
0x1e: {  	[sflag:s13] =	ssyncset.done $0x0  }
0x1f: {  	[sflag:s13] =	ssyncadd.s32 $0xFFFFFFB0  }
0x20: {  	[tilespmem:s15], [sflag:$0x1] =	stream.linear.gather [hbm4b:s10+s3], $0x2800, $0x38;
	[tilespmem:$0x16100] =	vst v63  }
0x21: {  	_ =	swait.ge [sflag:s13], $0x2800  }
0x22: {  	[sflag:s13] =	ssyncset.done $0x0  }
0x23: {  	[sflag:s13] =	ssyncadd.s32 $0xFFFFD800  }
0x24: {  	[spmem:s2] =	stream.indirect.scatter.add.f32 [tilespmem:s15], [sflag:$0x1], $0x80, s3, s16, $0xb8;
	[tilespmem:$0x16100] =	vst v63  }
0x25: {  	s19 =	simm.s32 $0xA;
	_ =	swait.ge [sflag:s13], $0x2800  }
0x26: {  	s20 =	simm.s32 $0x14;
	s18 =	sadd.s32 $0x500, s10;
	[sflag:s13] =	ssyncset.done $0x0  }
.LBB2_2:
0x27: {  	s21 =	sadd.s32 s19, s11  }
0x28: {  	[sflag:s13] =	ssyncadd.s32 $0xFFFFD800;
	s19 =	smov.u32 s20;
	s22 =	sadd.s32 $0xA, s20  }
0x29: {  	[tilespmem:s3], [sflag:$0x1] =	stream.linear.gather [hbm4b:s21+s3], $0x50, $0x38;
	[tilespmem:$0x16100] =	vst v63  }
0x2a: {  	p1 =	sne.s32 s20, $0x4D8;
	_ =	swait.ge [sflag:s13], $0x50  }
0x2b: {  	[sflag:s13] =	ssyncset.done $0x0  }
0x2c: {  	[sflag:s13] =	ssyncadd.s32 $0xFFFFFFB0  }
0x2d: {  	[tilespmem:s15], [sflag:$0x1] =	stream.linear.gather [hbm4b:s18+s3], $0x2800, $0x38;
	[tilespmem:$0x16100] =	vst v63  }
0x2e: {  	_ =	swait.ge [sflag:s13], $0x2800  }
.Ltmp0:
0x2f: {  	[sflag:s13] =	ssyncset.done $0x0;
	(pc) =	sbr.rel @p1 .LBB2_2-.Ltmp0, $4  }
0x30: {  	[sflag:s13] =	ssyncadd.s32 $0xFFFFD800  }
0x31: {  	[spmem:s2] =	stream.indirect.scatter.add.f32 [tilespmem:s15], [sflag:$0x1], $0x80, s3, s16, $0xb8;
	[tilespmem:$0x16100] =	vst v63  }
0x32: {  	_ =	swait.ge [sflag:s13], $0x2800  }
0x33: {  	s20 =	smov.u32 s22;
	s18 =	sadd.s32 $0x500, s18;
	[sflag:s13] =	ssyncset.done $0x0  }
0x34: {  	s19 =	sadd.s32 s19, s11;
	[sflag:s13] =	ssyncadd.s32 $0xFFFFD800  }
0x35: {  	[tilespmem:s3], [sflag:$0x1] =	stream.linear.gather [hbm4b:s19+s3], $0x50, $0x38;
	[tilespmem:$0x16100] =	vst v63  }
0x36: {  	_ =	swait.ge [sflag:s13], $0x50  }
0x37: {  	[sflag:s13] =	ssyncset.done $0x0  }
0x38: {  	[sflag:s13] =	ssyncadd.s32 $0xFFFFFFB0  }
0x39: {  	[tilespmem:s15], [sflag:$0x1] =	stream.linear.gather [hbm4b:s18+s3], $0x2800, $0x38;
	[tilespmem:$0x16100] =	vst v63  }
0x3a: {  	_ =	swait.ge [sflag:s13], $0x2800  }
0x3b: {  	[sflag:s13] =	ssyncset.done $0x0  }
0x3c: {  	[sflag:s13] =	ssyncadd.s32 $0xFFFFD800  }
0x3d: {  	[spmem:s2] =	stream.indirect.scatter.add.f32 [tilespmem:s15], [sflag:$0x1], $0x80, s3, s16, $0xb8;
	[tilespmem:$0x16100] =	vst v63  }
0x3e: {  	_ =	swait.ge [sflag:s13], $0x2800  }
0x3f: {  	[sflag:s13] =	ssyncset.done $0x0  }
0x40: {  	[sflag:s13] =	ssyncadd.s32 $0xFFFFD800  }
0x41: {  	[bflag:$0x0] =	sbarrier.arrive $0xFFFF  }
0x42: {  	[hbm:s7], [sflag:s5] =	dma.local [spmem:s12], $0x2700  }
0x43: {  	s17 =	sadd.s32 $0x1, s17;
	_ =	swait.ge [sflag:s13], $0x2700  }
0x44: {  	p1 =	sne.s32 s17, s9;
	[sflag:s13] =	ssyncset.done $0x0  }
.Ltmp1:
0x45: {  	s18 =	simm.s32 @!p0 $0x1;
	[sflag:s13] =	ssyncadd.s32 $0xFFFFD900;
	(pc) =	sbr.rel @p1 .LBB2_1-.Ltmp1, $4  }
0x46: {  	[hbm:s8], [sflag:s5] =	dma.local @!p0 [spmem:s14], $0x100  }
0x47: {  	_ =	swait.ge @!p0 [sflag:s18], $0x100  }
0x48: {  	[sflag:s18] =	ssyncset.done @!p0 $0x0  }
0x49: {  	[sflag:s18] =	ssyncadd.s32 @!p0 $0xFFFFFF00  }
0x4a: {  	_ =	sfence.sel $0x180000  }
0x4b: {  	[bflag:$0x0] =	sbarrier.arrive $0xFFFF  }
0x4c: {  	p0 =	sne.s32 s0, $0x0;
	_ =	strace $0x9000004A  }
0x4d: {  	s0 =	sadd.s32 @!p0 $0x100000, s1;
	[bflag:$0x2] =	sbarrier.arrive $0xFFFF  }
0x4e: {  	[sflag:s0] =	ssyncadd.tile.s32 @!p0 $0x1;
	_ =	shalt  }
.Lfunc_end2:
_tile_overlayer_lowered:
.L_overlay_start_2:
0x4f: {  	(tag) =	ssettag $0x2  }
0x50: {  	s0 =	rddreg [dreg:$0x0];
	s2 =	stileid.u32  }
0x51: {  	s1 =	rddreg [dreg:$0x1];
	p0 =	sne.s32 s2, $0x0  }
0x52: {  	s3 =	rddreg [dreg:$0x2];
	[bflag:$0x3] =	sbarrier.arrive $0xFFFF;
	s2 =	simm.s32 @!p0 $0x1C01  }
0x53: {  	[timem:s3], [sflag:s2] =	dma.local @!p0 [hbm:s0], s1  }
0x54: {  	s0 =	simm.s32 @!p0 $0x1  }
0x55: {  	_ =	swait.ge @!p0 [sflag:s0], s1  }
0x56: {  	s1 =	ssub.s32 @!p0 $0x0, s1;
	[sflag:s0] =	ssyncset.done @!p0 $0x0  }
0x57: {  	[sflag:s0] =	ssyncadd.s32 @!p0 s1  }
0x58: {  	[bflag:$0x3] =	sbarrier.arrive $0xFFFF  }
0x59: {  	_ =	shalt  }

</sc_bundles>
